<compile_context>
chip_gen: v7x
topology: tpu7x:2x2x1
jax: 0.10.2.dev20260603
libtpu: 0.0.44.dev20260713+nightly
codegen_flags: <defaults>
</compile_context>

<pallas_src>
import functools

import numpy as np
import jax
import jax.numpy as jnp
from jax import lax
from jax.experimental import pallas as pl
from jax.experimental.pallas import tpu as pltpu
from jax.experimental.pallas import tpu_sc as plsc

N = 10000
E = 320000
G = 64
D = 128

NPAD = 10240
NB = 1024
NBLK = NPAD // NB

CORES = 2
SUBC = 16
C = 128
EPW = 20096
EPAD = EPW * SUBC
NCHUNK = EPW // C
RPS = NPAD // SUBC

ROWA = 16
ROWH = 64
ROWACC = 80

_NEG = -1e30

def _kred8():
    r = lax.broadcasted_iota(jnp.int32, (D, 8), 0)
    c = lax.broadcasted_iota(jnp.int32, (D, 8), 1)
    return (r // 16 == c).astype(jnp.float32)


def _eye(m, n):
    r = lax.broadcasted_iota(jnp.int32, (m, n), 0)
    c = lax.broadcasted_iota(jnp.int32, (m, n), 1)
    return (r == c).astype(jnp.float32)


def _bc4_64():
    r = lax.broadcasted_iota(jnp.int32, (4, 64), 0)
    c = lax.broadcasted_iota(jnp.int32, (4, 64), 1)
    return (c // 16 == r).astype(jnp.float32)


def _leaky(x):
    return jnp.where(x >= 0, x, x * jnp.float32(0.2))


def _tc1_body(x_ref, w_ref, ats_ref, atd_ref,
              hs_ref, as_ref, ad_ref, acc_ref):
    i = pl.program_id(0)
    h = jnp.dot(x_ref[...], w_ref[...], preferred_element_type=jnp.float32)
    a_s = jnp.dot(h * ats_ref[...], _kred8())
    a_d = jnp.dot(h * atd_ref[...], _kred8())
    rows = i * NB + lax.broadcasted_iota(jnp.int32, (NB, 1), 0)
    mask = rows < N
    as_ref[...] = jnp.dot(jnp.where(mask, a_s, _NEG), _eye(8, 16))
    ad_ref[...] = jnp.dot(jnp.where(mask, a_d, 0.0), _eye(8, 16))
    ex_self = jnp.exp(_leaky(a_s + a_d))
    den8 = jnp.where(mask, ex_self, 1.0)
    for c in range(2):
        hc = h[:, 64 * c:64 * c + 64]
        hs_ref[c] = hc
        acc_ref[c, :, 0:64] = hc * jnp.dot(ex_self[:, 4 * c:4 * c + 4], _bc4_64())
        acc_ref[c, :, 64:68] = den8[:, 4 * c:4 * c + 4]
        acc_ref[c, :, 68:80] = jnp.zeros((NB, 12), jnp.float32)


_tc1 = pl.pallas_call(
    _tc1_body,
    grid=(NBLK,),
    in_specs=[
        pl.BlockSpec((NB, D), lambda i: (i, 0)),
        pl.BlockSpec((D, D), lambda i: (0, 0)),
        pl.BlockSpec((1, D), lambda i: (0, 0)),
        pl.BlockSpec((1, D), lambda i: (0, 0)),
    ],
    out_specs=[
        pl.BlockSpec((2, NB, 64), lambda i: (0, i, 0)),
        pl.BlockSpec((NB, ROWA), lambda i: (i, 0)),
        pl.BlockSpec((NB, ROWA), lambda i: (i, 0)),
        pl.BlockSpec((2, NB, ROWACC), lambda i: (0, i, 0)),
    ],
    out_shape=[
        jax.ShapeDtypeStruct((2, NPAD, 64), jnp.float32),
        jax.ShapeDtypeStruct((NPAD, ROWA), jnp.float32),
        jax.ShapeDtypeStruct((NPAD, ROWA), jnp.float32),
        jax.ShapeDtypeStruct((2, NPAD, ROWACC), jnp.float32),
    ],
)


def _tc2_body(acc_ref, w2_ref, b1_ref, ats2_ref, atd2_ref,
              hs2_ref, as2_ref, ad2_ref, acc2_ref):
    i = pl.program_id(0)
    parts = []
    for c in range(2):
        num = acc_ref[c, :, 0:64]
        den = acc_ref[c, :, 64:68]
        parts.append(num / jnp.dot(den, _bc4_64()))
    out1 = jnp.concatenate(parts, axis=1) + b1_ref[...]
    hmid = jnp.where(out1 > 0, out1, jnp.exp(jnp.minimum(out1, 0.0)) - 1.0)
    h2 = jnp.dot(hmid, w2_ref[...], preferred_element_type=jnp.float32)
    a_s = jnp.dot(h2 * ats2_ref[...], jnp.ones((D, 1), jnp.float32))
    a_d = jnp.dot(h2 * atd2_ref[...], jnp.ones((D, 1), jnp.float32))
    rows = i * NB + lax.broadcasted_iota(jnp.int32, (NB, 1), 0)
    mask = rows < N
    as2_ref[...] = jnp.dot(jnp.where(mask, a_s, _NEG), _eye(1, 16))
    ad2_ref[...] = jnp.dot(jnp.where(mask, a_d, 0.0), _eye(1, 16))
    ex_self = jnp.exp(_leaky(a_s + a_d))
    den1 = jnp.where(mask, ex_self, 1.0)
    for c in range(2):
        h2c = h2[:, 64 * c:64 * c + 64]
        hs2_ref[c] = h2c
        acc2_ref[c, :, 0:64] = h2c * ex_self
        acc2_ref[c, :, 64:65] = den1
        acc2_ref[c, :, 65:80] = jnp.zeros((NB, 15), jnp.float32)


_tc2 = pl.pallas_call(
    _tc2_body,
    grid=(NBLK,),
    in_specs=[
        pl.BlockSpec((2, NB, ROWACC), lambda i: (0, i, 0)),
        pl.BlockSpec((D, D), lambda i: (0, 0)),
        pl.BlockSpec((1, D), lambda i: (0, 0)),
        pl.BlockSpec((1, D), lambda i: (0, 0)),
        pl.BlockSpec((1, D), lambda i: (0, 0)),
    ],
    out_specs=[
        pl.BlockSpec((2, NB, 64), lambda i: (0, i, 0)),
        pl.BlockSpec((NB, ROWA), lambda i: (i, 0)),
        pl.BlockSpec((NB, ROWA), lambda i: (i, 0)),
        pl.BlockSpec((2, NB, ROWACC), lambda i: (0, i, 0)),
    ],
    out_shape=[
        jax.ShapeDtypeStruct((2, NPAD, 64), jnp.float32),
        jax.ShapeDtypeStruct((NPAD, ROWA), jnp.float32),
        jax.ShapeDtypeStruct((NPAD, ROWA), jnp.float32),
        jax.ShapeDtypeStruct((2, NPAD, ROWACC), jnp.float32),
    ],
)


def _tc3_body(acc_ref, b2_ref, batch_ref, out_ref):
    i = pl.program_id(0)
    parts = []
    for c in range(2):
        parts.append(acc_ref[c, :, 0:64] / acc_ref[c, :, 64:65])
    out2 = jnp.concatenate(parts, axis=1) + b2_ref[...]
    oh = (batch_ref[...] == lax.broadcasted_iota(jnp.int32, (NB, G), 1))
    contrib = lax.dot_general(oh.astype(jnp.float32), out2,
                              (((0,), (0,)), ((), ())),
                              preferred_element_type=jnp.float32)

    @pl.when(i == 0)
    def _():
        out_ref[...] = contrib

    @pl.when(i > 0)
    def _():
        out_ref[...] += contrib


_tc3 = pl.pallas_call(
    _tc3_body,
    grid=(NBLK,),
    in_specs=[
        pl.BlockSpec((2, NB, ROWACC), lambda i: (0, i, 0)),
        pl.BlockSpec((1, D), lambda i: (0, 0)),
        pl.BlockSpec((NB, 1), lambda i: (i, 0)),
    ],
    out_specs=pl.BlockSpec((G, D), lambda i: (0, 0)),
    out_shape=jax.ShapeDtypeStruct((G, D), jnp.float32),
)


def _take16(v, idx):
    dnums = lax.GatherDimensionNumbers(
        offset_dims=(), collapsed_slice_dims=(0,), start_index_map=(0,))
    return lax.gather(v, idx[:, None], dnums, slice_sizes=(1,),
                      mode=lax.GatherScatterMode.PROMISE_IN_BOUNDS)


def _make_sc_edge(hpc):
    mesh = plsc.VectorSubcoreMesh(core_axis_name="c", subcore_axis_name="s")

    @functools.partial(
        pl.kernel,
        out_type=jax.ShapeDtypeStruct((CORES * NPAD, ROWACC), jnp.float32),
        mesh=mesh,
        compiler_params=pltpu.CompilerParams(use_tc_tiling_on_sc=False),
        scratch_types=[
            pltpu.VMEM((C,), jnp.int32),
            pltpu.VMEM((C,), jnp.int32),
            pltpu.VMEM((C,), jnp.int32),
            pltpu.VMEM((C, ROWA), jnp.float32),
            pltpu.VMEM((C, ROWA), jnp.float32),
            pltpu.VMEM((C, ROWH), jnp.float32),
            pltpu.VMEM((C, ROWACC), jnp.float32),
            pltpu.VMEM_SHARED((NPAD, ROWACC), jnp.float32),
        ],
    )
    def sc_edge(src_hbm, dst_hbm, astab_hbm, adtab_hbm, hsplit_hbm, accinit_hbm,
                out_hbm, srcv, dstv, hidxv, avs, avd, hv, mv, acc_sh):
        cid = lax.axis_index("c")
        sid = lax.axis_index("s")
        r0 = sid * RPS
        pltpu.sync_copy(accinit_hbm.at[pl.ds(cid * NPAD + r0, RPS)],
                        acc_sh.at[pl.ds(r0, RPS)])
        plsc.subcore_barrier()

        iota16 = lax.iota(jnp.int32, 16)
        lane0 = cid * 4 if hpc == 4 else 0
        tail_idx = jnp.minimum(iota16, hpc - 1) + lane0
        tail_mask = iota16 < hpc
        ebase = sid * EPW

        def chunk_body(i, _):
            off = ebase + i * C
            pltpu.sync_copy(src_hbm.at[pl.ds(off, C)], srcv)
            pltpu.sync_copy(dst_hbm.at[pl.ds(off, C)], dstv)
            for k in range(C // 16):
                hidxv[pl.ds(16 * k, 16)] = srcv[pl.ds(16 * k, 16)] + cid * NPAD
            pltpu.sync_copy(astab_hbm.at[srcv], avs)
            pltpu.sync_copy(adtab_hbm.at[dstv], avd)
            pltpu.sync_copy(hsplit_hbm.at[hidxv], hv)

            def edge_body(e, _):
                ex = jnp.exp(_leaky(avs[e] + avd[e]))
                if hpc == 1:
                    exb0 = _take16(ex, jnp.zeros((16,), jnp.int32))
                for j in range(4):
                    if hpc == 4:
                        exb = _take16(ex, jnp.full((16,), j, jnp.int32) + lane0)
                    else:
                        exb = exb0
                    mv[e, pl.ds(16 * j, 16)] = hv[e, pl.ds(16 * j, 16)] * exb
                tail = jnp.where(tail_mask, _take16(ex, tail_idx), 0.0)
                mv[e, pl.ds(64, 16)] = tail
                return 0

            lax.fori_loop(0, C, edge_body, 0)
            pltpu.sync_copy(mv, acc_sh.at[dstv], add=True)
            return 0

        lax.fori_loop(0, NCHUNK, chunk_body, 0)
        plsc.subcore_barrier()
        pltpu.sync_copy(acc_sh.at[pl.ds(r0, RPS)],
                        out_hbm.at[pl.ds(cid * NPAD + r0, RPS)])

    return sc_edge


_sc_edge_l1 = _make_sc_edge(4)
_sc_edge_l2 = _make_sc_edge(1)


def kernel(x, edge_index, batch, W1, att_src1, att_dst1, b1,
           W2, att_src2, att_dst2, b2):
    x_p = jnp.pad(x, ((0, NPAD - N), (0, 0)))
    pad_idx = N + (jnp.arange(EPAD - E, dtype=jnp.int32) % (NPAD - N))
    src = jnp.concatenate([edge_index[0], pad_idx])
    dst = jnp.concatenate([edge_index[1], pad_idx])
    batch_p = jnp.pad(batch, (0, NPAD - N), constant_values=G).reshape(NPAD, 1)

    hs, as1, ad1, acc1_init = _tc1(x_p, W1,
                                   att_src1.reshape(1, D),
                                   att_dst1.reshape(1, D))
    acc1 = _sc_edge_l1(src, dst, as1, ad1,
                       hs.reshape(CORES * NPAD, ROWH),
                       acc1_init.reshape(CORES * NPAD, ROWACC))
    hs2, as2, ad2, acc2_init = _tc2(acc1.reshape(CORES, NPAD, ROWACC), W2,
                                    b1.reshape(1, D),
                                    att_src2.reshape(1, D),
                                    att_dst2.reshape(1, D))
    acc2 = _sc_edge_l2(src, dst, as2, ad2,
                       hs2.reshape(CORES * NPAD, ROWH),
                       acc2_init.reshape(CORES * NPAD, ROWACC))
    return _tc3(acc2.reshape(CORES, NPAD, ROWACC), b2.reshape(1, D), batch_p)

# --- scband reference (transcript-rebuilt; emitter-appended) ---
"""Pipeline reference for scband-gat-83940840833062 (READ-ONLY COPY).

The authoritative reference and input builder live on the scoring server;
editing this copy changes nothing except your own understanding.
"""

import jax, jax.numpy as jnp
import numpy as np

N = 10000
E = 320000
D_IN = 128
HEADS1 = 8
C1 = 16
C2 = 128
G = 64


def gat_conv(x, src, dst, W, att_src, att_dst, bias, heads, out_ch, concat):
    n = x.shape[0]
    h = (x @ W).reshape(n, heads, out_ch)
    a_src = (h * att_src.reshape(heads, out_ch)).sum(-1)
    a_dst = (h * att_dst.reshape(heads, out_ch)).sum(-1)
    alpha = a_src[src] + a_dst[dst]
    alpha = jax.nn.leaky_relu(alpha, negative_slope=0.2)
    amax = jax.ops.segment_max(alpha, dst, num_segments=n)
    amax = jax.lax.stop_gradient(amax)
    ex = jnp.exp(alpha - amax[dst])
    denom = jax.ops.segment_sum(ex, dst, num_segments=n)
    coef = ex / (denom[dst] + 1e-16)
    msg = h[src] * coef[:, :, None]
    out = jax.ops.segment_sum(msg, dst, num_segments=n)
    if concat:
        out = out.reshape(n, heads * out_ch)
    else:
        out = out.mean(axis=1)
    return out + bias


def setup_inputs(seed: int = 0):
    key = jax.random.key(seed)
    ks = jax.random.split(key, 12)
    x = jax.random.normal(ks[0], (N, D_IN), dtype=jnp.float32)
    edge_index = jax.random.randint(ks[1], (2, E), 0, N, dtype=jnp.int32)
    batch = jnp.sort(jax.random.randint(ks[2], (N,), 0, G, dtype=jnp.int32))
    s1 = 1.0 / np.sqrt(D_IN)
    W1 = jax.random.uniform(ks[3], (D_IN, HEADS1 * C1), minval=-s1, maxval=s1, dtype=jnp.float32)
    att_src1 = jax.random.uniform(ks[4], (1, HEADS1, C1), minval=-s1, maxval=s1, dtype=jnp.float32)
    att_dst1 = jax.random.uniform(ks[5], (1, HEADS1, C1), minval=-s1, maxval=s1, dtype=jnp.float32)
    b1 = jnp.zeros((HEADS1 * C1,), dtype=jnp.float32)
    s2 = 1.0 / np.sqrt(HEADS1 * C1)
    W2 = jax.random.uniform(ks[6], (HEADS1 * C1, C2), minval=-s2, maxval=s2, dtype=jnp.float32)
    att_src2 = jax.random.uniform(ks[7], (1, 1, C2), minval=-s2, maxval=s2, dtype=jnp.float32)
    att_dst2 = jax.random.uniform(ks[8], (1, 1, C2), minval=-s2, maxval=s2, dtype=jnp.float32)
    b2 = jnp.zeros((C2,), dtype=jnp.float32)
    return {"x": x, "edge_index": edge_index, "batch": batch,
            "W1": W1, "att_src1": att_src1, "att_dst1": att_dst1, "b1": b1,
            "W2": W2, "att_src2": att_src2, "att_dst2": att_dst2, "b2": b2}


def reference(x, edge_index, batch, W1, att_src1, att_dst1, b1, W2, att_src2, att_dst2, b2):
    n = x.shape[0]
    loop = jnp.arange(n, dtype=edge_index.dtype)
    src = jnp.concatenate([edge_index[0], loop])
    dst = jnp.concatenate([edge_index[1], loop])
    h = gat_conv(x, src, dst, W1, att_src1, att_dst1, b1, HEADS1, C1, True)
    h = jax.nn.elu(h)
    # F.dropout with training=False is identity (eval mode)
    h = gat_conv(h, src, dst, W2, att_src2, att_dst2, b2, 1, C2, False)
    out = jax.ops.segment_sum(h, batch, num_segments=G)
    return out

if __name__ == "__main__":
    import jax
    _d = setup_inputs()
    print(jax.jit(kernel)(*tuple(_d.values())))

</pallas_src>

<mosaic_0001>
#map = affine_map<(d0, d1) -> (0)>
#map1 = affine_map<(d0, d1) -> (0, 0)>
module attributes {stable_mosaic.version = 14 : i64} {
  func.func @sc_edge(%arg0: i32, %arg1: i32, %arg2: memref<321536xi32, #tpu.memory_space<hbm>>, %arg3: memref<321536xi32, #tpu.memory_space<hbm>>, %arg4: memref<10240x16xf32, #tpu.memory_space<hbm>>, %arg5: memref<10240x16xf32, #tpu.memory_space<hbm>>, %arg6: memref<20480x64xf32, #tpu.memory_space<hbm>>, %arg7: memref<20480x80xf32, #tpu.memory_space<hbm>>, %arg8: memref<20480x80xf32, #tpu.memory_space<hbm>>, %arg9: memref<128xi32, #tpu.memory_space<vmem>>, %arg10: memref<128xi32, #tpu.memory_space<vmem>>, %arg11: memref<128xi32, #tpu.memory_space<vmem>>, %arg12: memref<128x16xf32, #tpu.memory_space<vmem>>, %arg13: memref<128x16xf32, #tpu.memory_space<vmem>>, %arg14: memref<128x64xf32, #tpu.memory_space<vmem>>, %arg15: memref<128x80xf32, #tpu.memory_space<vmem>>, %arg16: memref<10240x80xf32, #tpu.memory_space<vmem_shared>>) attributes {dimension_semantics = [#tpu.dimension_semantics<core_parallel>, #tpu.dimension_semantics<subcore_parallel>], iteration_bounds = array<i64: 2, 16>, scalar_prefetch = 0 : i64, scratch_operands = 8 : i64, tpu.core_type = #tpu.core_type<sc_vector_subcore>, window_params = [{transform_indices = #map}, {transform_indices = #map}, {transform_indices = #map1}, {transform_indices = #map1}, {transform_indices = #map1}, {transform_indices = #map1}, {transform_indices = #map1}]} {
    %mul3A = arith.constant 640 : i32
    %mul3A_0 = arith.muli %arg1, %mul3A : i32
    %mul3A_1 = arith.constant 10240 : i32
    %mul3A_2 = arith.muli %arg0, %mul3A_1 : i32
    %add3A = arith.addi %mul3A_2, %mul3A_0 : i32
    "tpu.region"() ({
      %run_scoped3A = tpu.sem_alloc : memref<!tpu.dma_semaphore, #tpu.memory_space<semaphore_mem>>
      %dma_start3A = arith.constant 0 : i32
      %dma_start3A_23 = tpu.memref_slice %arg16[%mul3A_0, %dma_start3A] : memref<10240x80xf32, #tpu.memory_space<vmem_shared>> -> memref<640x80xf32, #tpu.memory_space<vmem_shared>>
      %dma_start3A_24 = arith.constant 0 : i32
      %dma_start3A_25 = tpu.memref_slice %arg7[%add3A, %dma_start3A_24] : memref<20480x80xf32, #tpu.memory_space<hbm>> -> memref<640x80xf32, #tpu.memory_space<hbm>>
      tpu.enqueue_dma source(%dma_start3A_25 : memref<640x80xf32, #tpu.memory_space<hbm>>) target(%dma_start3A_23 : memref<640x80xf32, #tpu.memory_space<vmem_shared>>) target_semaphore(%run_scoped3A : memref<!tpu.dma_semaphore, #tpu.memory_space<semaphore_mem>>)
      %dma_wait3A = arith.constant 0 : i32
      %dma_wait3A_26 = tpu.memref_slice %arg16[%mul3A_0, %dma_wait3A] : memref<10240x80xf32, #tpu.memory_space<vmem_shared>> -> memref<640x80xf32, #tpu.memory_space<vmem_shared>>
      %dma_wait3A_27 = arith.constant 0 : i32
      %dma_wait3A_28 = tpu.memref_slice %arg7[%add3A, %dma_wait3A_27] : memref<20480x80xf32, #tpu.memory_space<hbm>> -> memref<640x80xf32, #tpu.memory_space<hbm>>
      tpu.wait_dma2 semaphore(%run_scoped3A : memref<!tpu.dma_semaphore, #tpu.memory_space<semaphore_mem>>) src(%dma_wait3A_28 : memref<640x80xf32, #tpu.memory_space<hbm>>) dst(%dma_wait3A_26 : memref<640x80xf32, #tpu.memory_space<vmem_shared>>)
      tpu.yield
    }) : () -> ()
    %barrier3A = arith.constant 0 : index
    tpu.barrier barrier_id(%barrier3A)
    %iota3A = tpu.iota {dimensions = array<i32: 0>} : vector<16xi32>
    %mul3A_3 = arith.constant 4 : i32
    %mul3A_4 = arith.muli %arg0, %mul3A_3 : i32
    %min3A = arith.constant 3 : i32
    %min3A_5 = vector.broadcast %min3A : i32 to vector<16xi32>
    %min3A_6 = arith.minsi %iota3A, %min3A_5 : vector<16xi32>
    %add3A_7 = vector.broadcast %mul3A_4 : i32 to vector<16xi32>
    %add3A_8 = arith.addi %min3A_6, %add3A_7 : vector<16xi32>
    %lt3A = arith.constant 4 : i32
    %lt3A_9 = vector.broadcast %lt3A : i32 to vector<16xi32>
    %lt3A_10 = arith.cmpi slt, %iota3A, %lt3A_9 : vector<16xi32>
    %mul3A_11 = arith.constant 20096 : i32
    %mul3A_12 = arith.muli %arg1, %mul3A_11 : i32
    %scan3A = arith.constant 0 : i32
    %scan3A_13 = arith.constant 0 : i32
    %scan3A_14 = arith.constant 157 : i32
    %scan3A_15 = arith.addi %scan3A_13, %scan3A_14 : i32
    %scan3A_16 = arith.constant 1 : i32
    %scan3A_17 = scf.for %scan3A_23 = %scan3A_13 to %scan3A_15 step %scan3A_16 iter_args(%scan3A_24 = %scan3A) -> (i32)  : i32 {
      %mul3A_25 = arith.constant 128 : i32
      %mul3A_26 = arith.muli %scan3A_23, %mul3A_25 : i32
      %add3A_27 = arith.addi %mul3A_12, %mul3A_26 : i32
      "tpu.region"() ({
        %run_scoped3A = tpu.sem_alloc : memref<!tpu.dma_semaphore, #tpu.memory_space<semaphore_mem>>
        %dma_start3A = tpu.memref_slice %arg2[%add3A_27] : memref<321536xi32, #tpu.memory_space<hbm>> -> memref<128xi32, #tpu.memory_space<hbm>>
        %dma_start3A_122 = tpu.memref_slice %arg2[%add3A_27] : memref<321536xi32, #tpu.memory_space<hbm>> -> memref<128xi32, #tpu.memory_space<hbm>>
        tpu.enqueue_dma source(%dma_start3A_122 : memref<128xi32, #tpu.memory_space<hbm>>) target(%arg9 : memref<128xi32, #tpu.memory_space<vmem>>) target_semaphore(%run_scoped3A : memref<!tpu.dma_semaphore, #tpu.memory_space<semaphore_mem>>)
        %dma_wait3A = tpu.memref_slice %arg2[%add3A_27] : memref<321536xi32, #tpu.memory_space<hbm>> -> memref<128xi32, #tpu.memory_space<hbm>>
        %dma_wait3A_123 = tpu.memref_slice %arg2[%add3A_27] : memref<321536xi32, #tpu.memory_space<hbm>> -> memref<128xi32, #tpu.memory_space<hbm>>
        tpu.wait_dma2 semaphore(%run_scoped3A : memref<!tpu.dma_semaphore, #tpu.memory_space<semaphore_mem>>) src(%dma_wait3A_123 : memref<128xi32, #tpu.memory_space<hbm>>) dst(%arg9 : memref<128xi32, #tpu.memory_space<vmem>>)
        tpu.yield
      }) : () -> ()
      "tpu.region"() ({
        %run_scoped3A = tpu.sem_alloc : memref<!tpu.dma_semaphore, #tpu.memory_space<semaphore_mem>>
        %dma_start3A = tpu.memref_slice %arg3[%add3A_27] : memref<321536xi32, #tpu.memory_space<hbm>> -> memref<128xi32, #tpu.memory_space<hbm>>
        %dma_start3A_122 = tpu.memref_slice %arg3[%add3A_27] : memref<321536xi32, #tpu.memory_space<hbm>> -> memref<128xi32, #tpu.memory_space<hbm>>
        tpu.enqueue_dma source(%dma_start3A_122 : memref<128xi32, #tpu.memory_space<hbm>>) target(%arg10 : memref<128xi32, #tpu.memory_space<vmem>>) target_semaphore(%run_scoped3A : memref<!tpu.dma_semaphore, #tpu.memory_space<semaphore_mem>>)
        %dma_wait3A = tpu.memref_slice %arg3[%add3A_27] : memref<321536xi32, #tpu.memory_space<hbm>> -> memref<128xi32, #tpu.memory_space<hbm>>
        %dma_wait3A_123 = tpu.memref_slice %arg3[%add3A_27] : memref<321536xi32, #tpu.memory_space<hbm>> -> memref<128xi32, #tpu.memory_space<hbm>>
        tpu.wait_dma2 semaphore(%run_scoped3A : memref<!tpu.dma_semaphore, #tpu.memory_space<semaphore_mem>>) src(%dma_wait3A_123 : memref<128xi32, #tpu.memory_space<hbm>>) dst(%arg10 : memref<128xi32, #tpu.memory_space<vmem>>)
        tpu.yield
      }) : () -> ()
      %get3A = arith.constant 0 : index
      %get3A_28 = tpu.vector_load %arg9[%get3A] {strides = array<i32>} : memref<128xi32, #tpu.memory_space<vmem>>, vector<16xi32>,
      %get3A_29 = vector.shape_cast %get3A_28 : vector<16xi32> to vector<16xi32>
      %mul3A_30 = arith.constant 10240 : i32
      %mul3A_31 = arith.muli %arg0, %mul3A_30 : i32
      %add3A_32 = vector.broadcast %mul3A_31 : i32 to vector<16xi32>
      %add3A_33 = arith.addi %get3A_29, %add3A_32 : vector<16xi32>
      %swap3A = arith.constant 0 : index
      %swap3A_34 = tpu.vector_load %arg11[%swap3A] {strides = array<i32>} : memref<128xi32, #tpu.memory_space<vmem>>, vector<16xi32>,
      %swap3A_35 = vector.shape_cast %swap3A_34 : vector<16xi32> to vector<16xi32>
      %swap3A_36 = vector.shape_cast %add3A_33 : vector<16xi32> to vector<16xi32>
      tpu.vector_store %arg11[%swap3A], %swap3A_36 {strides = array<i32>} : memref<128xi32, #tpu.memory_space<vmem>>, vector<16xi32>,
      %get3A_37 = arith.constant 16 : index
      %get3A_38 = tpu.vector_load %arg9[%get3A_37] {strides = array<i32>} : memref<128xi32, #tpu.memory_space<vmem>>, vector<16xi32>,
      %get3A_39 = vector.shape_cast %get3A_38 : vector<16xi32> to vector<16xi32>
      %mul3A_40 = arith.constant 10240 : i32
      %mul3A_41 = arith.muli %arg0, %mul3A_40 : i32
      %add3A_42 = vector.broadcast %mul3A_41 : i32 to vector<16xi32>
      %add3A_43 = arith.addi %get3A_39, %add3A_42 : vector<16xi32>
      %swap3A_44 = arith.constant 16 : index
      %swap3A_45 = tpu.vector_load %arg11[%swap3A_44] {strides = array<i32>} : memref<128xi32, #tpu.memory_space<vmem>>, vector<16xi32>,
      %swap3A_46 = vector.shape_cast %swap3A_45 : vector<16xi32> to vector<16xi32>
      %swap3A_47 = vector.shape_cast %add3A_43 : vector<16xi32> to vector<16xi32>
      tpu.vector_store %arg11[%swap3A_44], %swap3A_47 {strides = array<i32>} : memref<128xi32, #tpu.memory_space<vmem>>, vector<16xi32>,
      %get3A_48 = arith.constant 32 : index
      %get3A_49 = tpu.vector_load %arg9[%get3A_48] {strides = array<i32>} : memref<128xi32, #tpu.memory_space<vmem>>, vector<16xi32>,
      %get3A_50 = vector.shape_cast %get3A_49 : vector<16xi32> to vector<16xi32>
      %mul3A_51 = arith.constant 10240 : i32
      %mul3A_52 = arith.muli %arg0, %mul3A_51 : i32
      %add3A_53 = vector.broadcast %mul3A_52 : i32 to vector<16xi32>
      %add3A_54 = arith.addi %get3A_50, %add3A_53 : vector<16xi32>
      %swap3A_55 = arith.constant 32 : index
      %swap3A_56 = tpu.vector_load %arg11[%swap3A_55] {strides = array<i32>} : memref<128xi32, #tpu.memory_space<vmem>>, vector<16xi32>,
      %swap3A_57 = vector.shape_cast %swap3A_56 : vector<16xi32> to vector<16xi32>
      %swap3A_58 = vector.shape_cast %add3A_54 : vector<16xi32> to vector<16xi32>
      tpu.vector_store %arg11[%swap3A_55], %swap3A_58 {strides = array<i32>} : memref<128xi32, #tpu.memory_space<vmem>>, vector<16xi32>,
      %get3A_59 = arith.constant 48 : index
      %get3A_60 = tpu.vector_load %arg9[%get3A_59] {strides = array<i32>} : memref<128xi32, #tpu.memory_space<vmem>>, vector<16xi32>,
      %get3A_61 = vector.shape_cast %get3A_60 : vector<16xi32> to vector<16xi32>
      %mul3A_62 = arith.constant 10240 : i32
      %mul3A_63 = arith.muli %arg0, %mul3A_62 : i32
      %add3A_64 = vector.broadcast %mul3A_63 : i32 to vector<16xi32>
      %add3A_65 = arith.addi %get3A_61, %add3A_64 : vector<16xi32>
      %swap3A_66 = arith.constant 48 : index
      %swap3A_67 = tpu.vector_load %arg11[%swap3A_66] {strides = array<i32>} : memref<128xi32, #tpu.memory_space<vmem>>, vector<16xi32>,
      %swap3A_68 = vector.shape_cast %swap3A_67 : vector<16xi32> to vector<16xi32>
      %swap3A_69 = vector.shape_cast %add3A_65 : vector<16xi32> to vector<16xi32>
      tpu.vector_store %arg11[%swap3A_66], %swap3A_69 {strides = array<i32>} : memref<128xi32, #tpu.memory_space<vmem>>, vector<16xi32>,
      %get3A_70 = arith.constant 64 : index
      %get3A_71 = tpu.vector_load %arg9[%get3A_70] {strides = array<i32>} : memref<128xi32, #tpu.memory_space<vmem>>, vector<16xi32>,
      %get3A_72 = vector.shape_cast %get3A_71 : vector<16xi32> to vector<16xi32>
      %mul3A_73 = arith.constant 10240 : i32
      %mul3A_74 = arith.muli %arg0, %mul3A_73 : i32
      %add3A_75 = vector.broadcast %mul3A_74 : i32 to vector<16xi32>
      %add3A_76 = arith.addi %get3A_72, %add3A_75 : vector<16xi32>
      %swap3A_77 = arith.constant 64 : index
      %swap3A_78 = tpu.vector_load %arg11[%swap3A_77] {strides = array<i32>} : memref<128xi32, #tpu.memory_space<vmem>>, vector<16xi32>,
      %swap3A_79 = vector.shape_cast %swap3A_78 : vector<16xi32> to vector<16xi32>
      %swap3A_80 = vector.shape_cast %add3A_76 : vector<16xi32> to vector<16xi32>
      tpu.vector_store %arg11[%swap3A_77], %swap3A_80 {strides = array<i32>} : memref<128xi32, #tpu.memory_space<vmem>>, vector<16xi32>,
      %get3A_81 = arith.constant 80 : index
      %get3A_82 = tpu.vector_load %arg9[%get3A_81] {strides = array<i32>} : memref<128xi32, #tpu.memory_space<vmem>>, vector<16xi32>,
      %get3A_83 = vector.shape_cast %get3A_82 : vector<16xi32> to vector<16xi32>
      %mul3A_84 = arith.constant 10240 : i32
      %mul3A_85 = arith.muli %arg0, %mul3A_84 : i32
      %add3A_86 = vector.broadcast %mul3A_85 : i32 to vector<16xi32>
      %add3A_87 = arith.addi %get3A_83, %add3A_86 : vector<16xi32>
      %swap3A_88 = arith.constant 80 : index
      %swap3A_89 = tpu.vector_load %arg11[%swap3A_88] {strides = array<i32>} : memref<128xi32, #tpu.memory_space<vmem>>, vector<16xi32>,
      %swap3A_90 = vector.shape_cast %swap3A_89 : vector<16xi32> to vector<16xi32>
      %swap3A_91 = vector.shape_cast %add3A_87 : vector<16xi32> to vector<16xi32>
      tpu.vector_store %arg11[%swap3A_88], %swap3A_91 {strides = array<i32>} : memref<128xi32, #tpu.memory_space<vmem>>, vector<16xi32>,
      %get3A_92 = arith.constant 96 : index
      %get3A_93 = tpu.vector_load %arg9[%get3A_92] {strides = array<i32>} : memref<128xi32, #tpu.memory_space<vmem>>, vector<16xi32>,
      %get3A_94 = vector.shape_cast %get3A_93 : vector<16xi32> to vector<16xi32>
      %mul3A_95 = arith.constant 10240 : i32
      %mul3A_96 = arith.muli %arg0, %mul3A_95 : i32
      %add3A_97 = vector.broadcast %mul3A_96 : i32 to vector<16xi32>
      %add3A_98 = arith.addi %get3A_94, %add3A_97 : vector<16xi32>
      %swap3A_99 = arith.constant 96 : index
      %swap3A_100 = tpu.vector_load %arg11[%swap3A_99] {strides = array<i32>} : memref<128xi32, #tpu.memory_space<vmem>>, vector<16xi32>,
      %swap3A_101 = vector.shape_cast %swap3A_100 : vector<16xi32> to vector<16xi32>
      %swap3A_102 = vector.shape_cast %add3A_98 : vector<16xi32> to vector<16xi32>
      tpu.vector_store %arg11[%swap3A_99], %swap3A_102 {strides = array<i32>} : memref<128xi32, #tpu.memory_space<vmem>>, vector<16xi32>,
      %get3A_103 = arith.constant 112 : index
      %get3A_104 = tpu.vector_load %arg9[%get3A_103] {strides = array<i32>} : memref<128xi32, #tpu.memory_space<vmem>>, vector<16xi32>,
      %get3A_105 = vector.shape_cast %get3A_104 : vector<16xi32> to vector<16xi32>
      %mul3A_106 = arith.constant 10240 : i32
      %mul3A_107 = arith.muli %arg0, %mul3A_106 : i32
      %add3A_108 = vector.broadcast %mul3A_107 : i32 to vector<16xi32>
      %add3A_109 = arith.addi %get3A_105, %add3A_108 : vector<16xi32>
      %swap3A_110 = arith.constant 112 : index
      %swap3A_111 = tpu.vector_load %arg11[%swap3A_110] {strides = array<i32>} : memref<128xi32, #tpu.memory_space<vmem>>, vector<16xi32>,
      %swap3A_112 = vector.shape_cast %swap3A_111 : vector<16xi32> to vector<16xi32>
      %swap3A_113 = vector.shape_cast %add3A_109 : vector<16xi32> to vector<16xi32>
      tpu.vector_store %arg11[%swap3A_110], %swap3A_113 {strides = array<i32>} : memref<128xi32, #tpu.memory_space<vmem>>, vector<16xi32>,
      "tpu.region"() ({
        %run_scoped3A = tpu.sem_alloc : memref<!tpu.dma_semaphore, #tpu.memory_space<semaphore_mem>>
        %dma_start3A = arith.constant 0 : i32
        %dma_start3A_122 = arith.constant 0 : i32
        %dma_start3A_123 = tpu.memref_slice %arg4[%dma_start3A, %dma_start3A_122] : memref<10240x16xf32, #tpu.memory_space<hbm>> -> memref<10240x16xf32, #tpu.memory_space<hbm>>
        tpu.enqueue_indirect_dma source(%dma_start3A_123 : memref<10240x16xf32, #tpu.memory_space<hbm>>) target(%arg12 : memref<128x16xf32, #tpu.memory_space<vmem>>) offsets(%arg9 : memref<128xi32, #tpu.memory_space<vmem>>) semaphore(%run_scoped3A : memref<!tpu.dma_semaphore, #tpu.memory_space<semaphore_mem>>)
        %dma_wait3A = arith.constant 0 : i32
        %dma_wait3A_124 = arith.constant 0 : i32
        %dma_wait3A_125 = tpu.memref_slice %arg4[%dma_wait3A, %dma_wait3A_124] : memref<10240x16xf32, #tpu.memory_space<hbm>> -> memref<10240x16xf32, #tpu.memory_space<hbm>>
        tpu.wait_indirect_dma semaphore(%run_scoped3A : memref<!tpu.dma_semaphore, #tpu.memory_space<semaphore_mem>>) src(%dma_wait3A_125 : memref<10240x16xf32, #tpu.memory_space<hbm>>) dst(%arg12 : memref<128x16xf32, #tpu.memory_space<vmem>>)
        tpu.yield
      }) : () -> ()
      "tpu.region"() ({
        %run_scoped3A = tpu.sem_alloc : memref<!tpu.dma_semaphore, #tpu.memory_space<semaphore_mem>>
        %dma_start3A = arith.constant 0 : i32
        %dma_start3A_122 = arith.constant 0 : i32
        %dma_start3A_123 = tpu.memref_slice %arg5[%dma_start3A, %dma_start3A_122] : memref<10240x16xf32, #tpu.memory_space<hbm>> -> memref<10240x16xf32, #tpu.memory_space<hbm>>
        tpu.enqueue_indirect_dma source(%dma_start3A_123 : memref<10240x16xf32, #tpu.memory_space<hbm>>) target(%arg13 : memref<128x16xf32, #tpu.memory_space<vmem>>) offsets(%arg10 : memref<128xi32, #tpu.memory_space<vmem>>) semaphore(%run_scoped3A : memref<!tpu.dma_semaphore, #tpu.memory_space<semaphore_mem>>)
        %dma_wait3A = arith.constant 0 : i32
        %dma_wait3A_124 = arith.constant 0 : i32
        %dma_wait3A_125 = tpu.memref_slice %arg5[%dma_wait3A, %dma_wait3A_124] : memref<10240x16xf32, #tpu.memory_space<hbm>> -> memref<10240x16xf32, #tpu.memory_space<hbm>>
        tpu.wait_indirect_dma semaphore(%run_scoped3A : memref<!tpu.dma_semaphore, #tpu.memory_space<semaphore_mem>>) src(%dma_wait3A_125 : memref<10240x16xf32, #tpu.memory_space<hbm>>) dst(%arg13 : memref<128x16xf32, #tpu.memory_space<vmem>>)
        tpu.yield
      }) : () -> ()
      "tpu.region"() ({
        %run_scoped3A = tpu.sem_alloc : memref<!tpu.dma_semaphore, #tpu.memory_space<semaphore_mem>>
        %dma_start3A = arith.constant 0 : i32
        %dma_start3A_122 = arith.constant 0 : i32
        %dma_start3A_123 = tpu.memref_slice %arg6[%dma_start3A, %dma_start3A_122] : memref<20480x64xf32, #tpu.memory_space<hbm>> -> memref<20480x64xf32, #tpu.memory_space<hbm>>
        tpu.enqueue_indirect_dma source(%dma_start3A_123 : memref<20480x64xf32, #tpu.memory_space<hbm>>) target(%arg14 : memref<128x64xf32, #tpu.memory_space<vmem>>) offsets(%arg11 : memref<128xi32, #tpu.memory_space<vmem>>) semaphore(%run_scoped3A : memref<!tpu.dma_semaphore, #tpu.memory_space<semaphore_mem>>)
        %dma_wait3A = arith.constant 0 : i32
        %dma_wait3A_124 = arith.constant 0 : i32
        %dma_wait3A_125 = tpu.memref_slice %arg6[%dma_wait3A, %dma_wait3A_124] : memref<20480x64xf32, #tpu.memory_space<hbm>> -> memref<20480x64xf32, #tpu.memory_space<hbm>>
        tpu.wait_indirect_dma semaphore(%run_scoped3A : memref<!tpu.dma_semaphore, #tpu.memory_space<semaphore_mem>>) src(%dma_wait3A_125 : memref<20480x64xf32, #tpu.memory_space<hbm>>) dst(%arg14 : memref<128x64xf32, #tpu.memory_space<vmem>>)
        tpu.yield
      }) : () -> ()
      %scan3A_114 = arith.constant 0 : i32
      %scan3A_115 = arith.constant 0 : i32
      %scan3A_116 = arith.constant 128 : i32
      %scan3A_117 = arith.addi %scan3A_115, %scan3A_116 : i32
      %scan3A_118 = arith.constant 1 : i32
      %scan3A_119 = scf.for %scan3A_122 = %scan3A_115 to %scan3A_117 step %scan3A_118 iter_args(%scan3A_123 = %scan3A_114) -> (i32)  : i32 {
        %get3A_124 = arith.index_cast %scan3A_122 : i32 to index
        %get3A_125 = arith.constant 0 : index
        %get3A_126 = tpu.vector_load %arg12[%get3A_124, %get3A_125] {strides = array<i32>} : memref<128x16xf32, #tpu.memory_space<vmem>>, vector<1x16xf32>,
        %get3A_127 = vector.shape_cast %get3A_126 : vector<1x16xf32> to vector<16xf32>
        %get3A_128 = arith.index_cast %scan3A_122 : i32 to index
        %get3A_129 = arith.constant 0 : index
        %get3A_130 = tpu.vector_load %arg13[%get3A_128, %get3A_129] {strides = array<i32>} : memref<128x16xf32, #tpu.memory_space<vmem>>, vector<1x16xf32>,
        %get3A_131 = vector.shape_cast %get3A_130 : vector<1x16xf32> to vector<16xf32>
        %add3A_132 = arith.addf %get3A_127, %get3A_131 : vector<16xf32>
        %ge3A = arith.constant 0.000000e+00 : f32
        %ge3A_133 = vector.broadcast %ge3A : f32 to vector<16xf32>
        %ge3A_134 = arith.cmpf oge, %add3A_132, %ge3A_133 : vector<16xf32>
        %mul3A_135 = arith.constant 2.000000e-01 : f32
        %mul3A_136 = vector.broadcast %mul3A_135 : f32 to vector<16xf32>
        %mul3A_137 = arith.mulf %add3A_132, %mul3A_136 : vector<16xf32>
        %select_n3A = arith.select %ge3A_134, %add3A_132, %mul3A_137 : vector<16xi1>, vector<16xf32>
        %exp3A = math.exp %select_n3A : vector<16xf32>
        %broadcast_in_dim3A = arith.constant 0 : i32
        %broadcast_in_dim3A_138 = vector.broadcast %broadcast_in_dim3A : i32 to vector<16xi32>
        %add3A_139 = vector.broadcast %mul3A_4 : i32 to vector<16xi32>
        %add3A_140 = arith.addi %broadcast_in_dim3A_138, %add3A_139 : vector<16xi32>
        %broadcast_in_dim3A_141 = vector.shape_cast %add3A_140 : vector<16xi32> to vector<16x1xi32>
        %gather3A = vector.shape_cast %broadcast_in_dim3A_141 : vector<16x1xi32> to vector<16xi32>
        %gather3A_142 = tpu.dynamic_gather %exp3A[%gather3A] in [0] : vector<16xf32>, vector<16xi32> -> vector<16xf32>
        %get3A_143 = arith.index_cast %scan3A_122 : i32 to index
        %get3A_144 = arith.constant 0 : index
        %get3A_145 = tpu.vector_load %arg14[%get3A_143, %get3A_144] {strides = array<i32>} : memref<128x64xf32, #tpu.memory_space<vmem>>, vector<1x16xf32>,
        %get3A_146 = vector.shape_cast %get3A_145 : vector<1x16xf32> to vector<16xf32>
        %mul3A_147 = arith.mulf %get3A_146, %gather3A_142 : vector<16xf32>
        %swap3A_148 = arith.index_cast %scan3A_122 : i32 to index
        %swap3A_149 = arith.constant 0 : index
        %swap3A_150 = tpu.vector_load %arg15[%swap3A_148, %swap3A_149] {strides = array<i32>} : memref<128x80xf32, #tpu.memory_space<vmem>>, vector<1x16xf32>,
        %swap3A_151 = vector.shape_cast %swap3A_150 : vector<1x16xf32> to vector<16xf32>
        %swap3A_152 = vector.shape_cast %mul3A_147 : vector<16xf32> to vector<1x16xf32>
        tpu.vector_store %arg15[%swap3A_148, %swap3A_149], %swap3A_152 {strides = array<i32>} : memref<128x80xf32, #tpu.memory_space<vmem>>, vector<1x16xf32>,
        %broadcast_in_dim3A_153 = arith.constant 1 : i32
        %broadcast_in_dim3A_154 = vector.broadcast %broadcast_in_dim3A_153 : i32 to vector<16xi32>
        %add3A_155 = vector.broadcast %mul3A_4 : i32 to vector<16xi32>
        %add3A_156 = arith.addi %broadcast_in_dim3A_154, %add3A_155 : vector<16xi32>
        %broadcast_in_dim3A_157 = vector.shape_cast %add3A_156 : vector<16xi32> to vector<16x1xi32>
        %gather3A_158 = vector.shape_cast %broadcast_in_dim3A_157 : vector<16x1xi32> to vector<16xi32>
        %gather3A_159 = tpu.dynamic_gather %exp3A[%gather3A_158] in [0] : vector<16xf32>, vector<16xi32> -> vector<16xf32>
        %get3A_160 = arith.index_cast %scan3A_122 : i32 to index
        %get3A_161 = arith.constant 16 : index
        %get3A_162 = tpu.vector_load %arg14[%get3A_160, %get3A_161] {strides = array<i32>} : memref<128x64xf32, #tpu.memory_space<vmem>>, vector<1x16xf32>,
        %get3A_163 = vector.shape_cast %get3A_162 : vector<1x16xf32> to vector<16xf32>
        %mul3A_164 = arith.mulf %get3A_163, %gather3A_159 : vector<16xf32>
        %swap3A_165 = arith.index_cast %scan3A_122 : i32 to index
        %swap3A_166 = arith.constant 16 : index
        %swap3A_167 = tpu.vector_load %arg15[%swap3A_165, %swap3A_166] {strides = array<i32>} : memref<128x80xf32, #tpu.memory_space<vmem>>, vector<1x16xf32>,
        %swap3A_168 = vector.shape_cast %swap3A_167 : vector<1x16xf32> to vector<16xf32>
        %swap3A_169 = vector.shape_cast %mul3A_164 : vector<16xf32> to vector<1x16xf32>
        tpu.vector_store %arg15[%swap3A_165, %swap3A_166], %swap3A_169 {strides = array<i32>} : memref<128x80xf32, #tpu.memory_space<vmem>>, vector<1x16xf32>,
        %broadcast_in_dim3A_170 = arith.constant 2 : i32
        %broadcast_in_dim3A_171 = vector.broadcast %broadcast_in_dim3A_170 : i32 to vector<16xi32>
        %add3A_172 = vector.broadcast %mul3A_4 : i32 to vector<16xi32>
        %add3A_173 = arith.addi %broadcast_in_dim3A_171, %add3A_172 : vector<16xi32>
        %broadcast_in_dim3A_174 = vector.shape_cast %add3A_173 : vector<16xi32> to vector<16x1xi32>
        %gather3A_175 = vector.shape_cast %broadcast_in_dim3A_174 : vector<16x1xi32> to vector<16xi32>
        %gather3A_176 = tpu.dynamic_gather %exp3A[%gather3A_175] in [0] : vector<16xf32>, vector<16xi32> -> vector<16xf32>
        %get3A_177 = arith.index_cast %scan3A_122 : i32 to index
        %get3A_178 = arith.constant 32 : index
        %get3A_179 = tpu.vector_load %arg14[%get3A_177, %get3A_178] {strides = array<i32>} : memref<128x64xf32, #tpu.memory_space<vmem>>, vector<1x16xf32>,
        %get3A_180 = vector.shape_cast %get3A_179 : vector<1x16xf32> to vector<16xf32>
        %mul3A_181 = arith.mulf %get3A_180, %gather3A_176 : vector<16xf32>
        %swap3A_182 = arith.index_cast %scan3A_122 : i32 to index
        %swap3A_183 = arith.constant 32 : index
        %swap3A_184 = tpu.vector_load %arg15[%swap3A_182, %swap3A_183] {strides = array<i32>} : memref<128x80xf32, #tpu.memory_space<vmem>>, vector<1x16xf32>,
        %swap3A_185 = vector.shape_cast %swap3A_184 : vector<1x16xf32> to vector<16xf32>
        %swap3A_186 = vector.shape_cast %mul3A_181 : vector<16xf32> to vector<1x16xf32>
        tpu.vector_store %arg15[%swap3A_182, %swap3A_183], %swap3A_186 {strides = array<i32>} : memref<128x80xf32, #tpu.memory_space<vmem>>, vector<1x16xf32>,
        %broadcast_in_dim3A_187 = arith.constant 3 : i32
        %broadcast_in_dim3A_188 = vector.broadcast %broadcast_in_dim3A_187 : i32 to vector<16xi32>
        %add3A_189 = vector.broadcast %mul3A_4 : i32 to vector<16xi32>
        %add3A_190 = arith.addi %broadcast_in_dim3A_188, %add3A_189 : vector<16xi32>
        %broadcast_in_dim3A_191 = vector.shape_cast %add3A_190 : vector<16xi32> to vector<16x1xi32>
        %gather3A_192 = vector.shape_cast %broadcast_in_dim3A_191 : vector<16x1xi32> to vector<16xi32>
        %gather3A_193 = tpu.dynamic_gather %exp3A[%gather3A_192] in [0] : vector<16xf32>, vector<16xi32> -> vector<16xf32>
        %get3A_194 = arith.index_cast %scan3A_122 : i32 to index
        %get3A_195 = arith.constant 48 : index
        %get3A_196 = tpu.vector_load %arg14[%get3A_194, %get3A_195] {strides = array<i32>} : memref<128x64xf32, #tpu.memory_space<vmem>>, vector<1x16xf32>,
        %get3A_197 = vector.shape_cast %get3A_196 : vector<1x16xf32> to vector<16xf32>
        %mul3A_198 = arith.mulf %get3A_197, %gather3A_193 : vector<16xf32>
        %swap3A_199 = arith.index_cast %scan3A_122 : i32 to index
        %swap3A_200 = arith.constant 48 : index
        %swap3A_201 = tpu.vector_load %arg15[%swap3A_199, %swap3A_200] {strides = array<i32>} : memref<128x80xf32, #tpu.memory_space<vmem>>, vector<1x16xf32>,
        %swap3A_202 = vector.shape_cast %swap3A_201 : vector<1x16xf32> to vector<16xf32>
        %swap3A_203 = vector.shape_cast %mul3A_198 : vector<16xf32> to vector<1x16xf32>
        tpu.vector_store %arg15[%swap3A_199, %swap3A_200], %swap3A_203 {strides = array<i32>} : memref<128x80xf32, #tpu.memory_space<vmem>>, vector<1x16xf32>,
        %broadcast_in_dim3A_204 = vector.shape_cast %add3A_8 : vector<16xi32> to vector<16x1xi32>
        %gather3A_205 = vector.shape_cast %broadcast_in_dim3A_204 : vector<16x1xi32> to vector<16xi32>
        %gather3A_206 = tpu.dynamic_gather %exp3A[%gather3A_205] in [0] : vector<16xf32>, vector<16xi32> -> vector<16xf32>
        %jit3A = arith.constant 0.000000e+00 : f32
        %broadcast_in_dim3A_207 = vector.broadcast %jit3A : f32 to vector<16xf32>
        %select_n3A_208 = arith.select %lt3A_10, %gather3A_206, %broadcast_in_dim3A_207 : vector<16xi1>, vector<16xf32>
        %swap3A_209 = arith.index_cast %scan3A_122 : i32 to index
        %swap3A_210 = arith.constant 64 : index
        %swap3A_211 = tpu.vector_load %arg15[%swap3A_209, %swap3A_210] {strides = array<i32>} : memref<128x80xf32, #tpu.memory_space<vmem>>, vector<1x16xf32>,
        %swap3A_212 = vector.shape_cast %swap3A_211 : vector<1x16xf32> to vector<16xf32>
        %swap3A_213 = vector.shape_cast %select_n3A_208 : vector<16xf32> to vector<1x16xf32>
        tpu.vector_store %arg15[%swap3A_209, %swap3A_210], %swap3A_213 {strides = array<i32>} : memref<128x80xf32, #tpu.memory_space<vmem>>, vector<1x16xf32>,
        %scan3A_214 = arith.constant 0 : i32
        scf.yield %scan3A_214 : i32
      }
      %scan3A_120 = arith.constant 128 : i32
      "tpu.region"() ({
        %run_scoped3A = tpu.sem_alloc : memref<!tpu.dma_semaphore, #tpu.memory_space<semaphore_mem>>
        %dma_start3A = arith.constant 0 : i32
        %dma_start3A_122 = arith.constant 0 : i32
        %dma_start3A_123 = tpu.memref_slice %arg16[%dma_start3A, %dma_start3A_122] : memref<10240x80xf32, #tpu.memory_space<vmem_shared>> -> memref<10240x80xf32, #tpu.memory_space<vmem_shared>>
        tpu.enqueue_indirect_dma source(%arg15 : memref<128x80xf32, #tpu.memory_space<vmem>>) target(%dma_start3A_123 : memref<10240x80xf32, #tpu.memory_space<vmem_shared>>) offsets(%arg10 : memref<128xi32, #tpu.memory_space<vmem>>) semaphore(%run_scoped3A : memref<!tpu.dma_semaphore, #tpu.memory_space<semaphore_mem>>) {add = true}
        %dma_wait3A = arith.constant 0 : i32
        %dma_wait3A_124 = arith.constant 0 : i32
        %dma_wait3A_125 = tpu.memref_slice %arg16[%dma_wait3A, %dma_wait3A_124] : memref<10240x80xf32, #tpu.memory_space<vmem_shared>> -> memref<10240x80xf32, #tpu.memory_space<vmem_shared>>
        tpu.wait_indirect_dma semaphore(%run_scoped3A : memref<!tpu.dma_semaphore, #tpu.memory_space<semaphore_mem>>) src(%arg15 : memref<128x80xf32, #tpu.memory_space<vmem>>) dst(%dma_wait3A_125 : memref<10240x80xf32, #tpu.memory_space<vmem_shared>>)
        tpu.yield
      }) : () -> ()
      %scan3A_121 = arith.constant 0 : i32
      scf.yield %scan3A_121 : i32
    }
    %scan3A_18 = arith.constant 157 : i32
    %barrier3A_19 = arith.constant 0 : index
    tpu.barrier barrier_id(%barrier3A_19)
    %mul3A_20 = arith.constant 10240 : i32
    %mul3A_21 = arith.muli %arg0, %mul3A_20 : i32
    %add3A_22 = arith.addi %mul3A_21, %mul3A_0 : i32
    "tpu.region"() ({
      %run_scoped3A = tpu.sem_alloc : memref<!tpu.dma_semaphore, #tpu.memory_space<semaphore_mem>>
      %dma_start3A = arith.constant 0 : i32
      %dma_start3A_23 = tpu.memref_slice %arg8[%add3A_22, %dma_start3A] : memref<20480x80xf32, #tpu.memory_space<hbm>> -> memref<640x80xf32, #tpu.memory_space<hbm>>
      %dma_start3A_24 = arith.constant 0 : i32
      %dma_start3A_25 = tpu.memref_slice %arg16[%mul3A_0, %dma_start3A_24] : memref<10240x80xf32, #tpu.memory_space<vmem_shared>> -> memref<640x80xf32, #tpu.memory_space<vmem_shared>>
      tpu.enqueue_dma source(%dma_start3A_25 : memref<640x80xf32, #tpu.memory_space<vmem_shared>>) target(%dma_start3A_23 : memref<640x80xf32, #tpu.memory_space<hbm>>) target_semaphore(%run_scoped3A : memref<!tpu.dma_semaphore, #tpu.memory_space<semaphore_mem>>)
      %dma_wait3A = arith.constant 0 : i32
      %dma_wait3A_26 = tpu.memref_slice %arg8[%add3A_22, %dma_wait3A] : memref<20480x80xf32, #tpu.memory_space<hbm>> -> memref<640x80xf32, #tpu.memory_space<hbm>>
      %dma_wait3A_27 = arith.constant 0 : i32
      %dma_wait3A_28 = tpu.memref_slice %arg16[%mul3A_0, %dma_wait3A_27] : memref<10240x80xf32, #tpu.memory_space<vmem_shared>> -> memref<640x80xf32, #tpu.memory_space<vmem_shared>>
      tpu.wait_dma2 semaphore(%run_scoped3A : memref<!tpu.dma_semaphore, #tpu.memory_space<semaphore_mem>>) src(%dma_wait3A_28 : memref<640x80xf32, #tpu.memory_space<vmem_shared>>) dst(%dma_wait3A_26 : memref<640x80xf32, #tpu.memory_space<hbm>>)
      tpu.yield
    }) : () -> ()
    return
  }
}

#map = affine_map<(d0, d1) -> (0)>
#map1 = affine_map<(d0, d1) -> (0, 0)>
module attributes {stable_mosaic.version = 14 : i64} {
  func.func @sc_edge(%arg0: i32, %arg1: i32, %arg2: memref<321536xi32, #tpu.memory_space<hbm>>, %arg3: memref<321536xi32, #tpu.memory_space<hbm>>, %arg4: memref<10240x16xf32, #tpu.memory_space<hbm>>, %arg5: memref<10240x16xf32, #tpu.memory_space<hbm>>, %arg6: memref<20480x64xf32, #tpu.memory_space<hbm>>, %arg7: memref<20480x80xf32, #tpu.memory_space<hbm>>, %arg8: memref<20480x80xf32, #tpu.memory_space<hbm>>, %arg9: memref<128xi32, #tpu.memory_space<vmem>>, %arg10: memref<128xi32, #tpu.memory_space<vmem>>, %arg11: memref<128xi32, #tpu.memory_space<vmem>>, %arg12: memref<128x16xf32, #tpu.memory_space<vmem>>, %arg13: memref<128x16xf32, #tpu.memory_space<vmem>>, %arg14: memref<128x64xf32, #tpu.memory_space<vmem>>, %arg15: memref<128x80xf32, #tpu.memory_space<vmem>>, %arg16: memref<10240x80xf32, #tpu.memory_space<vmem_shared>>) attributes {dimension_semantics = [#tpu.dimension_semantics<core_parallel>, #tpu.dimension_semantics<subcore_parallel>], iteration_bounds = array<i64: 2, 16>, scalar_prefetch = 0 : i64, scratch_operands = 8 : i64, tpu.core_type = #tpu.core_type<sc_vector_subcore>, window_params = [{transform_indices = #map}, {transform_indices = #map}, {transform_indices = #map1}, {transform_indices = #map1}, {transform_indices = #map1}, {transform_indices = #map1}, {transform_indices = #map1}]} {
    %mul3A = arith.constant 640 : i32
    %mul3A_0 = arith.muli %arg1, %mul3A : i32
    %mul3A_1 = arith.constant 10240 : i32
    %mul3A_2 = arith.muli %arg0, %mul3A_1 : i32
    %add3A = arith.addi %mul3A_2, %mul3A_0 : i32
    "tpu.region"() ({
      %run_scoped3A = tpu.sem_alloc : memref<!tpu.dma_semaphore, #tpu.memory_space<semaphore_mem>>
      %dma_start3A = arith.constant 0 : i32
      %dma_start3A_22 = tpu.memref_slice %arg16[%mul3A_0, %dma_start3A] : memref<10240x80xf32, #tpu.memory_space<vmem_shared>> -> memref<640x80xf32, #tpu.memory_space<vmem_shared>>
      %dma_start3A_23 = arith.constant 0 : i32
      %dma_start3A_24 = tpu.memref_slice %arg7[%add3A, %dma_start3A_23] : memref<20480x80xf32, #tpu.memory_space<hbm>> -> memref<640x80xf32, #tpu.memory_space<hbm>>
      tpu.enqueue_dma source(%dma_start3A_24 : memref<640x80xf32, #tpu.memory_space<hbm>>) target(%dma_start3A_22 : memref<640x80xf32, #tpu.memory_space<vmem_shared>>) target_semaphore(%run_scoped3A : memref<!tpu.dma_semaphore, #tpu.memory_space<semaphore_mem>>)
      %dma_wait3A = arith.constant 0 : i32
      %dma_wait3A_25 = tpu.memref_slice %arg16[%mul3A_0, %dma_wait3A] : memref<10240x80xf32, #tpu.memory_space<vmem_shared>> -> memref<640x80xf32, #tpu.memory_space<vmem_shared>>
      %dma_wait3A_26 = arith.constant 0 : i32
      %dma_wait3A_27 = tpu.memref_slice %arg7[%add3A, %dma_wait3A_26] : memref<20480x80xf32, #tpu.memory_space<hbm>> -> memref<640x80xf32, #tpu.memory_space<hbm>>
      tpu.wait_dma2 semaphore(%run_scoped3A : memref<!tpu.dma_semaphore, #tpu.memory_space<semaphore_mem>>) src(%dma_wait3A_27 : memref<640x80xf32, #tpu.memory_space<hbm>>) dst(%dma_wait3A_25 : memref<640x80xf32, #tpu.memory_space<vmem_shared>>)
      tpu.yield
    }) : () -> ()
    %barrier3A = arith.constant 0 : index
    tpu.barrier barrier_id(%barrier3A)
    %iota3A = tpu.iota {dimensions = array<i32: 0>} : vector<16xi32>
    %min3A = arith.constant 0 : i32
    %min3A_3 = vector.broadcast %min3A : i32 to vector<16xi32>
    %min3A_4 = arith.minsi %iota3A, %min3A_3 : vector<16xi32>
    %add3A_5 = arith.constant 0 : i32
    %add3A_6 = vector.broadcast %add3A_5 : i32 to vector<16xi32>
    %add3A_7 = arith.addi %min3A_4, %add3A_6 : vector<16xi32>
    %lt3A = arith.constant 1 : i32
    %lt3A_8 = vector.broadcast %lt3A : i32 to vector<16xi32>
    %lt3A_9 = arith.cmpi slt, %iota3A, %lt3A_8 : vector<16xi32>
    %mul3A_10 = arith.constant 20096 : i32
    %mul3A_11 = arith.muli %arg1, %mul3A_10 : i32
    %scan3A = arith.constant 0 : i32
    %scan3A_12 = arith.constant 0 : i32
    %scan3A_13 = arith.constant 157 : i32
    %scan3A_14 = arith.addi %scan3A_12, %scan3A_13 : i32
    %scan3A_15 = arith.constant 1 : i32
    %scan3A_16 = scf.for %scan3A_22 = %scan3A_12 to %scan3A_14 step %scan3A_15 iter_args(%scan3A_23 = %scan3A) -> (i32)  : i32 {
      %mul3A_24 = arith.constant 128 : i32
      %mul3A_25 = arith.muli %scan3A_22, %mul3A_24 : i32
      %add3A_26 = arith.addi %mul3A_11, %mul3A_25 : i32
      "tpu.region"() ({
        %run_scoped3A = tpu.sem_alloc : memref<!tpu.dma_semaphore, #tpu.memory_space<semaphore_mem>>
        %dma_start3A = tpu.memref_slice %arg2[%add3A_26] : memref<321536xi32, #tpu.memory_space<hbm>> -> memref<128xi32, #tpu.memory_space<hbm>>
        %dma_start3A_121 = tpu.memref_slice %arg2[%add3A_26] : memref<321536xi32, #tpu.memory_space<hbm>> -> memref<128xi32, #tpu.memory_space<hbm>>
        tpu.enqueue_dma source(%dma_start3A_121 : memref<128xi32, #tpu.memory_space<hbm>>) target(%arg9 : memref<128xi32, #tpu.memory_space<vmem>>) target_semaphore(%run_scoped3A : memref<!tpu.dma_semaphore, #tpu.memory_space<semaphore_mem>>)
        %dma_wait3A = tpu.memref_slice %arg2[%add3A_26] : memref<321536xi32, #tpu.memory_space<hbm>> -> memref<128xi32, #tpu.memory_space<hbm>>
        %dma_wait3A_122 = tpu.memref_slice %arg2[%add3A_26] : memref<321536xi32, #tpu.memory_space<hbm>> -> memref<128xi32, #tpu.memory_space<hbm>>
        tpu.wait_dma2 semaphore(%run_scoped3A : memref<!tpu.dma_semaphore, #tpu.memory_space<semaphore_mem>>) src(%dma_wait3A_122 : memref<128xi32, #tpu.memory_space<hbm>>) dst(%arg9 : memref<128xi32, #tpu.memory_space<vmem>>)
        tpu.yield
      }) : () -> ()
      "tpu.region"() ({
        %run_scoped3A = tpu.sem_alloc : memref<!tpu.dma_semaphore, #tpu.memory_space<semaphore_mem>>
        %dma_start3A = tpu.memref_slice %arg3[%add3A_26] : memref<321536xi32, #tpu.memory_space<hbm>> -> memref<128xi32, #tpu.memory_space<hbm>>
        %dma_start3A_121 = tpu.memref_slice %arg3[%add3A_26] : memref<321536xi32, #tpu.memory_space<hbm>> -> memref<128xi32, #tpu.memory_space<hbm>>
        tpu.enqueue_dma source(%dma_start3A_121 : memref<128xi32, #tpu.memory_space<hbm>>) target(%arg10 : memref<128xi32, #tpu.memory_space<vmem>>) target_semaphore(%run_scoped3A : memref<!tpu.dma_semaphore, #tpu.memory_space<semaphore_mem>>)
        %dma_wait3A = tpu.memref_slice %arg3[%add3A_26] : memref<321536xi32, #tpu.memory_space<hbm>> -> memref<128xi32, #tpu.memory_space<hbm>>
        %dma_wait3A_122 = tpu.memref_slice %arg3[%add3A_26] : memref<321536xi32, #tpu.memory_space<hbm>> -> memref<128xi32, #tpu.memory_space<hbm>>
        tpu.wait_dma2 semaphore(%run_scoped3A : memref<!tpu.dma_semaphore, #tpu.memory_space<semaphore_mem>>) src(%dma_wait3A_122 : memref<128xi32, #tpu.memory_space<hbm>>) dst(%arg10 : memref<128xi32, #tpu.memory_space<vmem>>)
        tpu.yield
      }) : () -> ()
      %get3A = arith.constant 0 : index
      %get3A_27 = tpu.vector_load %arg9[%get3A] {strides = array<i32>} : memref<128xi32, #tpu.memory_space<vmem>>, vector<16xi32>,
      %get3A_28 = vector.shape_cast %get3A_27 : vector<16xi32> to vector<16xi32>
      %mul3A_29 = arith.constant 10240 : i32
      %mul3A_30 = arith.muli %arg0, %mul3A_29 : i32
      %add3A_31 = vector.broadcast %mul3A_30 : i32 to vector<16xi32>
      %add3A_32 = arith.addi %get3A_28, %add3A_31 : vector<16xi32>
      %swap3A = arith.constant 0 : index
      %swap3A_33 = tpu.vector_load %arg11[%swap3A] {strides = array<i32>} : memref<128xi32, #tpu.memory_space<vmem>>, vector<16xi32>,
      %swap3A_34 = vector.shape_cast %swap3A_33 : vector<16xi32> to vector<16xi32>
      %swap3A_35 = vector.shape_cast %add3A_32 : vector<16xi32> to vector<16xi32>
      tpu.vector_store %arg11[%swap3A], %swap3A_35 {strides = array<i32>} : memref<128xi32, #tpu.memory_space<vmem>>, vector<16xi32>,
      %get3A_36 = arith.constant 16 : index
      %get3A_37 = tpu.vector_load %arg9[%get3A_36] {strides = array<i32>} : memref<128xi32, #tpu.memory_space<vmem>>, vector<16xi32>,
      %get3A_38 = vector.shape_cast %get3A_37 : vector<16xi32> to vector<16xi32>
      %mul3A_39 = arith.constant 10240 : i32
      %mul3A_40 = arith.muli %arg0, %mul3A_39 : i32
      %add3A_41 = vector.broadcast %mul3A_40 : i32 to vector<16xi32>
      %add3A_42 = arith.addi %get3A_38, %add3A_41 : vector<16xi32>
      %swap3A_43 = arith.constant 16 : index
      %swap3A_44 = tpu.vector_load %arg11[%swap3A_43] {strides = array<i32>} : memref<128xi32, #tpu.memory_space<vmem>>, vector<16xi32>,
      %swap3A_45 = vector.shape_cast %swap3A_44 : vector<16xi32> to vector<16xi32>
      %swap3A_46 = vector.shape_cast %add3A_42 : vector<16xi32> to vector<16xi32>
      tpu.vector_store %arg11[%swap3A_43], %swap3A_46 {strides = array<i32>} : memref<128xi32, #tpu.memory_space<vmem>>, vector<16xi32>,
      %get3A_47 = arith.constant 32 : index
      %get3A_48 = tpu.vector_load %arg9[%get3A_47] {strides = array<i32>} : memref<128xi32, #tpu.memory_space<vmem>>, vector<16xi32>,
      %get3A_49 = vector.shape_cast %get3A_48 : vector<16xi32> to vector<16xi32>
      %mul3A_50 = arith.constant 10240 : i32
      %mul3A_51 = arith.muli %arg0, %mul3A_50 : i32
      %add3A_52 = vector.broadcast %mul3A_51 : i32 to vector<16xi32>
      %add3A_53 = arith.addi %get3A_49, %add3A_52 : vector<16xi32>
      %swap3A_54 = arith.constant 32 : index
      %swap3A_55 = tpu.vector_load %arg11[%swap3A_54] {strides = array<i32>} : memref<128xi32, #tpu.memory_space<vmem>>, vector<16xi32>,
      %swap3A_56 = vector.shape_cast %swap3A_55 : vector<16xi32> to vector<16xi32>
      %swap3A_57 = vector.shape_cast %add3A_53 : vector<16xi32> to vector<16xi32>
      tpu.vector_store %arg11[%swap3A_54], %swap3A_57 {strides = array<i32>} : memref<128xi32, #tpu.memory_space<vmem>>, vector<16xi32>,
      %get3A_58 = arith.constant 48 : index
      %get3A_59 = tpu.vector_load %arg9[%get3A_58] {strides = array<i32>} : memref<128xi32, #tpu.memory_space<vmem>>, vector<16xi32>,
      %get3A_60 = vector.shape_cast %get3A_59 : vector<16xi32> to vector<16xi32>
      %mul3A_61 = arith.constant 10240 : i32
      %mul3A_62 = arith.muli %arg0, %mul3A_61 : i32
      %add3A_63 = vector.broadcast %mul3A_62 : i32 to vector<16xi32>
      %add3A_64 = arith.addi %get3A_60, %add3A_63 : vector<16xi32>
      %swap3A_65 = arith.constant 48 : index
      %swap3A_66 = tpu.vector_load %arg11[%swap3A_65] {strides = array<i32>} : memref<128xi32, #tpu.memory_space<vmem>>, vector<16xi32>,
      %swap3A_67 = vector.shape_cast %swap3A_66 : vector<16xi32> to vector<16xi32>
      %swap3A_68 = vector.shape_cast %add3A_64 : vector<16xi32> to vector<16xi32>
      tpu.vector_store %arg11[%swap3A_65], %swap3A_68 {strides = array<i32>} : memref<128xi32, #tpu.memory_space<vmem>>, vector<16xi32>,
      %get3A_69 = arith.constant 64 : index
      %get3A_70 = tpu.vector_load %arg9[%get3A_69] {strides = array<i32>} : memref<128xi32, #tpu.memory_space<vmem>>, vector<16xi32>,
      %get3A_71 = vector.shape_cast %get3A_70 : vector<16xi32> to vector<16xi32>
      %mul3A_72 = arith.constant 10240 : i32
      %mul3A_73 = arith.muli %arg0, %mul3A_72 : i32
      %add3A_74 = vector.broadcast %mul3A_73 : i32 to vector<16xi32>
      %add3A_75 = arith.addi %get3A_71, %add3A_74 : vector<16xi32>
      %swap3A_76 = arith.constant 64 : index
      %swap3A_77 = tpu.vector_load %arg11[%swap3A_76] {strides = array<i32>} : memref<128xi32, #tpu.memory_space<vmem>>, vector<16xi32>,
      %swap3A_78 = vector.shape_cast %swap3A_77 : vector<16xi32> to vector<16xi32>
      %swap3A_79 = vector.shape_cast %add3A_75 : vector<16xi32> to vector<16xi32>
      tpu.vector_store %arg11[%swap3A_76], %swap3A_79 {strides = array<i32>} : memref<128xi32, #tpu.memory_space<vmem>>, vector<16xi32>,
      %get3A_80 = arith.constant 80 : index
      %get3A_81 = tpu.vector_load %arg9[%get3A_80] {strides = array<i32>} : memref<128xi32, #tpu.memory_space<vmem>>, vector<16xi32>,
      %get3A_82 = vector.shape_cast %get3A_81 : vector<16xi32> to vector<16xi32>
      %mul3A_83 = arith.constant 10240 : i32
      %mul3A_84 = arith.muli %arg0, %mul3A_83 : i32
      %add3A_85 = vector.broadcast %mul3A_84 : i32 to vector<16xi32>
      %add3A_86 = arith.addi %get3A_82, %add3A_85 : vector<16xi32>
      %swap3A_87 = arith.constant 80 : index
      %swap3A_88 = tpu.vector_load %arg11[%swap3A_87] {strides = array<i32>} : memref<128xi32, #tpu.memory_space<vmem>>, vector<16xi32>,
      %swap3A_89 = vector.shape_cast %swap3A_88 : vector<16xi32> to vector<16xi32>
      %swap3A_90 = vector.shape_cast %add3A_86 : vector<16xi32> to vector<16xi32>
      tpu.vector_store %arg11[%swap3A_87], %swap3A_90 {strides = array<i32>} : memref<128xi32, #tpu.memory_space<vmem>>, vector<16xi32>,
      %get3A_91 = arith.constant 96 : index
      %get3A_92 = tpu.vector_load %arg9[%get3A_91] {strides = array<i32>} : memref<128xi32, #tpu.memory_space<vmem>>, vector<16xi32>,
      %get3A_93 = vector.shape_cast %get3A_92 : vector<16xi32> to vector<16xi32>
      %mul3A_94 = arith.constant 10240 : i32
      %mul3A_95 = arith.muli %arg0, %mul3A_94 : i32
      %add3A_96 = vector.broadcast %mul3A_95 : i32 to vector<16xi32>
      %add3A_97 = arith.addi %get3A_93, %add3A_96 : vector<16xi32>
      %swap3A_98 = arith.constant 96 : index
      %swap3A_99 = tpu.vector_load %arg11[%swap3A_98] {strides = array<i32>} : memref<128xi32, #tpu.memory_space<vmem>>, vector<16xi32>,
      %swap3A_100 = vector.shape_cast %swap3A_99 : vector<16xi32> to vector<16xi32>
      %swap3A_101 = vector.shape_cast %add3A_97 : vector<16xi32> to vector<16xi32>
      tpu.vector_store %arg11[%swap3A_98], %swap3A_101 {strides = array<i32>} : memref<128xi32, #tpu.memory_space<vmem>>, vector<16xi32>,
      %get3A_102 = arith.constant 112 : index
      %get3A_103 = tpu.vector_load %arg9[%get3A_102] {strides = array<i32>} : memref<128xi32, #tpu.memory_space<vmem>>, vector<16xi32>,
      %get3A_104 = vector.shape_cast %get3A_103 : vector<16xi32> to vector<16xi32>
      %mul3A_105 = arith.constant 10240 : i32
      %mul3A_106 = arith.muli %arg0, %mul3A_105 : i32
      %add3A_107 = vector.broadcast %mul3A_106 : i32 to vector<16xi32>
      %add3A_108 = arith.addi %get3A_104, %add3A_107 : vector<16xi32>
      %swap3A_109 = arith.constant 112 : index
      %swap3A_110 = tpu.vector_load %arg11[%swap3A_109] {strides = array<i32>} : memref<128xi32, #tpu.memory_space<vmem>>, vector<16xi32>,
      %swap3A_111 = vector.shape_cast %swap3A_110 : vector<16xi32> to vector<16xi32>
      %swap3A_112 = vector.shape_cast %add3A_108 : vector<16xi32> to vector<16xi32>
      tpu.vector_store %arg11[%swap3A_109], %swap3A_112 {strides = array<i32>} : memref<128xi32, #tpu.memory_space<vmem>>, vector<16xi32>,
      "tpu.region"() ({
        %run_scoped3A = tpu.sem_alloc : memref<!tpu.dma_semaphore, #tpu.memory_space<semaphore_mem>>
        %dma_start3A = arith.constant 0 : i32
        %dma_start3A_121 = arith.constant 0 : i32
        %dma_start3A_122 = tpu.memref_slice %arg4[%dma_start3A, %dma_start3A_121] : memref<10240x16xf32, #tpu.memory_space<hbm>> -> memref<10240x16xf32, #tpu.memory_space<hbm>>
        tpu.enqueue_indirect_dma source(%dma_start3A_122 : memref<10240x16xf32, #tpu.memory_space<hbm>>) target(%arg12 : memref<128x16xf32, #tpu.memory_space<vmem>>) offsets(%arg9 : memref<128xi32, #tpu.memory_space<vmem>>) semaphore(%run_scoped3A : memref<!tpu.dma_semaphore, #tpu.memory_space<semaphore_mem>>)
        %dma_wait3A = arith.constant 0 : i32
        %dma_wait3A_123 = arith.constant 0 : i32
        %dma_wait3A_124 = tpu.memref_slice %arg4[%dma_wait3A, %dma_wait3A_123] : memref<10240x16xf32, #tpu.memory_space<hbm>> -> memref<10240x16xf32, #tpu.memory_space<hbm>>
        tpu.wait_indirect_dma semaphore(%run_scoped3A : memref<!tpu.dma_semaphore, #tpu.memory_space<semaphore_mem>>) src(%dma_wait3A_124 : memref<10240x16xf32, #tpu.memory_space<hbm>>) dst(%arg12 : memref<128x16xf32, #tpu.memory_space<vmem>>)
        tpu.yield
      }) : () -> ()
      "tpu.region"() ({
        %run_scoped3A = tpu.sem_alloc : memref<!tpu.dma_semaphore, #tpu.memory_space<semaphore_mem>>
        %dma_start3A = arith.constant 0 : i32
        %dma_start3A_121 = arith.constant 0 : i32
        %dma_start3A_122 = tpu.memref_slice %arg5[%dma_start3A, %dma_start3A_121] : memref<10240x16xf32, #tpu.memory_space<hbm>> -> memref<10240x16xf32, #tpu.memory_space<hbm>>
        tpu.enqueue_indirect_dma source(%dma_start3A_122 : memref<10240x16xf32, #tpu.memory_space<hbm>>) target(%arg13 : memref<128x16xf32, #tpu.memory_space<vmem>>) offsets(%arg10 : memref<128xi32, #tpu.memory_space<vmem>>) semaphore(%run_scoped3A : memref<!tpu.dma_semaphore, #tpu.memory_space<semaphore_mem>>)
        %dma_wait3A = arith.constant 0 : i32
        %dma_wait3A_123 = arith.constant 0 : i32
        %dma_wait3A_124 = tpu.memref_slice %arg5[%dma_wait3A, %dma_wait3A_123] : memref<10240x16xf32, #tpu.memory_space<hbm>> -> memref<10240x16xf32, #tpu.memory_space<hbm>>
        tpu.wait_indirect_dma semaphore(%run_scoped3A : memref<!tpu.dma_semaphore, #tpu.memory_space<semaphore_mem>>) src(%dma_wait3A_124 : memref<10240x16xf32, #tpu.memory_space<hbm>>) dst(%arg13 : memref<128x16xf32, #tpu.memory_space<vmem>>)
        tpu.yield
      }) : () -> ()
      "tpu.region"() ({
        %run_scoped3A = tpu.sem_alloc : memref<!tpu.dma_semaphore, #tpu.memory_space<semaphore_mem>>
        %dma_start3A = arith.constant 0 : i32
        %dma_start3A_121 = arith.constant 0 : i32
        %dma_start3A_122 = tpu.memref_slice %arg6[%dma_start3A, %dma_start3A_121] : memref<20480x64xf32, #tpu.memory_space<hbm>> -> memref<20480x64xf32, #tpu.memory_space<hbm>>
        tpu.enqueue_indirect_dma source(%dma_start3A_122 : memref<20480x64xf32, #tpu.memory_space<hbm>>) target(%arg14 : memref<128x64xf32, #tpu.memory_space<vmem>>) offsets(%arg11 : memref<128xi32, #tpu.memory_space<vmem>>) semaphore(%run_scoped3A : memref<!tpu.dma_semaphore, #tpu.memory_space<semaphore_mem>>)
        %dma_wait3A = arith.constant 0 : i32
        %dma_wait3A_123 = arith.constant 0 : i32
        %dma_wait3A_124 = tpu.memref_slice %arg6[%dma_wait3A, %dma_wait3A_123] : memref<20480x64xf32, #tpu.memory_space<hbm>> -> memref<20480x64xf32, #tpu.memory_space<hbm>>
        tpu.wait_indirect_dma semaphore(%run_scoped3A : memref<!tpu.dma_semaphore, #tpu.memory_space<semaphore_mem>>) src(%dma_wait3A_124 : memref<20480x64xf32, #tpu.memory_space<hbm>>) dst(%arg14 : memref<128x64xf32, #tpu.memory_space<vmem>>)
        tpu.yield
      }) : () -> ()
      %scan3A_113 = arith.constant 0 : i32
      %scan3A_114 = arith.constant 0 : i32
      %scan3A_115 = arith.constant 128 : i32
      %scan3A_116 = arith.addi %scan3A_114, %scan3A_115 : i32
      %scan3A_117 = arith.constant 1 : i32
      %scan3A_118 = scf.for %scan3A_121 = %scan3A_114 to %scan3A_116 step %scan3A_117 iter_args(%scan3A_122 = %scan3A_113) -> (i32)  : i32 {
        %get3A_123 = arith.index_cast %scan3A_121 : i32 to index
        %get3A_124 = arith.constant 0 : index
        %get3A_125 = tpu.vector_load %arg12[%get3A_123, %get3A_124] {strides = array<i32>} : memref<128x16xf32, #tpu.memory_space<vmem>>, vector<1x16xf32>,
        %get3A_126 = vector.shape_cast %get3A_125 : vector<1x16xf32> to vector<16xf32>
        %get3A_127 = arith.index_cast %scan3A_121 : i32 to index
        %get3A_128 = arith.constant 0 : index
        %get3A_129 = tpu.vector_load %arg13[%get3A_127, %get3A_128] {strides = array<i32>} : memref<128x16xf32, #tpu.memory_space<vmem>>, vector<1x16xf32>,
        %get3A_130 = vector.shape_cast %get3A_129 : vector<1x16xf32> to vector<16xf32>
        %add3A_131 = arith.addf %get3A_126, %get3A_130 : vector<16xf32>
        %ge3A = arith.constant 0.000000e+00 : f32
        %ge3A_132 = vector.broadcast %ge3A : f32 to vector<16xf32>
        %ge3A_133 = arith.cmpf oge, %add3A_131, %ge3A_132 : vector<16xf32>
        %mul3A_134 = arith.constant 2.000000e-01 : f32
        %mul3A_135 = vector.broadcast %mul3A_134 : f32 to vector<16xf32>
        %mul3A_136 = arith.mulf %add3A_131, %mul3A_135 : vector<16xf32>
        %select_n3A = arith.select %ge3A_133, %add3A_131, %mul3A_136 : vector<16xi1>, vector<16xf32>
        %exp3A = math.exp %select_n3A : vector<16xf32>
        %broadcast_in_dim3A = arith.constant 0 : i32
        %broadcast_in_dim3A_137 = vector.broadcast %broadcast_in_dim3A : i32 to vector<16xi32>
        %broadcast_in_dim3A_138 = vector.shape_cast %broadcast_in_dim3A_137 : vector<16xi32> to vector<16x1xi32>
        %gather3A = vector.shape_cast %broadcast_in_dim3A_138 : vector<16x1xi32> to vector<16xi32>
        %gather3A_139 = tpu.dynamic_gather %exp3A[%gather3A] in [0] : vector<16xf32>, vector<16xi32> -> vector<16xf32>
        %get3A_140 = arith.index_cast %scan3A_121 : i32 to index
        %get3A_141 = arith.constant 0 : index
        %get3A_142 = tpu.vector_load %arg14[%get3A_140, %get3A_141] {strides = array<i32>} : memref<128x64xf32, #tpu.memory_space<vmem>>, vector<1x16xf32>,
        %get3A_143 = vector.shape_cast %get3A_142 : vector<1x16xf32> to vector<16xf32>
        %mul3A_144 = arith.mulf %get3A_143, %gather3A_139 : vector<16xf32>
        %swap3A_145 = arith.index_cast %scan3A_121 : i32 to index
        %swap3A_146 = arith.constant 0 : index
        %swap3A_147 = tpu.vector_load %arg15[%swap3A_145, %swap3A_146] {strides = array<i32>} : memref<128x80xf32, #tpu.memory_space<vmem>>, vector<1x16xf32>,
        %swap3A_148 = vector.shape_cast %swap3A_147 : vector<1x16xf32> to vector<16xf32>
        %swap3A_149 = vector.shape_cast %mul3A_144 : vector<16xf32> to vector<1x16xf32>
        tpu.vector_store %arg15[%swap3A_145, %swap3A_146], %swap3A_149 {strides = array<i32>} : memref<128x80xf32, #tpu.memory_space<vmem>>, vector<1x16xf32>,
        %get3A_150 = arith.index_cast %scan3A_121 : i32 to index
        %get3A_151 = arith.constant 16 : index
        %get3A_152 = tpu.vector_load %arg14[%get3A_150, %get3A_151] {strides = array<i32>} : memref<128x64xf32, #tpu.memory_space<vmem>>, vector<1x16xf32>,
        %get3A_153 = vector.shape_cast %get3A_152 : vector<1x16xf32> to vector<16xf32>
        %mul3A_154 = arith.mulf %get3A_153, %gather3A_139 : vector<16xf32>
        %swap3A_155 = arith.index_cast %scan3A_121 : i32 to index
        %swap3A_156 = arith.constant 16 : index
        %swap3A_157 = tpu.vector_load %arg15[%swap3A_155, %swap3A_156] {strides = array<i32>} : memref<128x80xf32, #tpu.memory_space<vmem>>, vector<1x16xf32>,
        %swap3A_158 = vector.shape_cast %swap3A_157 : vector<1x16xf32> to vector<16xf32>
        %swap3A_159 = vector.shape_cast %mul3A_154 : vector<16xf32> to vector<1x16xf32>
        tpu.vector_store %arg15[%swap3A_155, %swap3A_156], %swap3A_159 {strides = array<i32>} : memref<128x80xf32, #tpu.memory_space<vmem>>, vector<1x16xf32>,
        %get3A_160 = arith.index_cast %scan3A_121 : i32 to index
        %get3A_161 = arith.constant 32 : index
        %get3A_162 = tpu.vector_load %arg14[%get3A_160, %get3A_161] {strides = array<i32>} : memref<128x64xf32, #tpu.memory_space<vmem>>, vector<1x16xf32>,
        %get3A_163 = vector.shape_cast %get3A_162 : vector<1x16xf32> to vector<16xf32>
        %mul3A_164 = arith.mulf %get3A_163, %gather3A_139 : vector<16xf32>
        %swap3A_165 = arith.index_cast %scan3A_121 : i32 to index
        %swap3A_166 = arith.constant 32 : index
        %swap3A_167 = tpu.vector_load %arg15[%swap3A_165, %swap3A_166] {strides = array<i32>} : memref<128x80xf32, #tpu.memory_space<vmem>>, vector<1x16xf32>,
        %swap3A_168 = vector.shape_cast %swap3A_167 : vector<1x16xf32> to vector<16xf32>
        %swap3A_169 = vector.shape_cast %mul3A_164 : vector<16xf32> to vector<1x16xf32>
        tpu.vector_store %arg15[%swap3A_165, %swap3A_166], %swap3A_169 {strides = array<i32>} : memref<128x80xf32, #tpu.memory_space<vmem>>, vector<1x16xf32>,
        %get3A_170 = arith.index_cast %scan3A_121 : i32 to index
        %get3A_171 = arith.constant 48 : index
        %get3A_172 = tpu.vector_load %arg14[%get3A_170, %get3A_171] {strides = array<i32>} : memref<128x64xf32, #tpu.memory_space<vmem>>, vector<1x16xf32>,
        %get3A_173 = vector.shape_cast %get3A_172 : vector<1x16xf32> to vector<16xf32>
        %mul3A_174 = arith.mulf %get3A_173, %gather3A_139 : vector<16xf32>
        %swap3A_175 = arith.index_cast %scan3A_121 : i32 to index
        %swap3A_176 = arith.constant 48 : index
        %swap3A_177 = tpu.vector_load %arg15[%swap3A_175, %swap3A_176] {strides = array<i32>} : memref<128x80xf32, #tpu.memory_space<vmem>>, vector<1x16xf32>,
        %swap3A_178 = vector.shape_cast %swap3A_177 : vector<1x16xf32> to vector<16xf32>
        %swap3A_179 = vector.shape_cast %mul3A_174 : vector<16xf32> to vector<1x16xf32>
        tpu.vector_store %arg15[%swap3A_175, %swap3A_176], %swap3A_179 {strides = array<i32>} : memref<128x80xf32, #tpu.memory_space<vmem>>, vector<1x16xf32>,
        %broadcast_in_dim3A_180 = vector.shape_cast %add3A_7 : vector<16xi32> to vector<16x1xi32>
        %gather3A_181 = vector.shape_cast %broadcast_in_dim3A_180 : vector<16x1xi32> to vector<16xi32>
        %gather3A_182 = tpu.dynamic_gather %exp3A[%gather3A_181] in [0] : vector<16xf32>, vector<16xi32> -> vector<16xf32>
        %jit3A = arith.constant 0.000000e+00 : f32
        %broadcast_in_dim3A_183 = vector.broadcast %jit3A : f32 to vector<16xf32>
        %select_n3A_184 = arith.select %lt3A_9, %gather3A_182, %broadcast_in_dim3A_183 : vector<16xi1>, vector<16xf32>
        %swap3A_185 = arith.index_cast %scan3A_121 : i32 to index
        %swap3A_186 = arith.constant 64 : index
        %swap3A_187 = tpu.vector_load %arg15[%swap3A_185, %swap3A_186] {strides = array<i32>} : memref<128x80xf32, #tpu.memory_space<vmem>>, vector<1x16xf32>,
        %swap3A_188 = vector.shape_cast %swap3A_187 : vector<1x16xf32> to vector<16xf32>
        %swap3A_189 = vector.shape_cast %select_n3A_184 : vector<16xf32> to vector<1x16xf32>
        tpu.vector_store %arg15[%swap3A_185, %swap3A_186], %swap3A_189 {strides = array<i32>} : memref<128x80xf32, #tpu.memory_space<vmem>>, vector<1x16xf32>,
        %scan3A_190 = arith.constant 0 : i32
        scf.yield %scan3A_190 : i32
      }
      %scan3A_119 = arith.constant 128 : i32
      "tpu.region"() ({
        %run_scoped3A = tpu.sem_alloc : memref<!tpu.dma_semaphore, #tpu.memory_space<semaphore_mem>>
        %dma_start3A = arith.constant 0 : i32
        %dma_start3A_121 = arith.constant 0 : i32
        %dma_start3A_122 = tpu.memref_slice %arg16[%dma_start3A, %dma_start3A_121] : memref<10240x80xf32, #tpu.memory_space<vmem_shared>> -> memref<10240x80xf32, #tpu.memory_space<vmem_shared>>
        tpu.enqueue_indirect_dma source(%arg15 : memref<128x80xf32, #tpu.memory_space<vmem>>) target(%dma_start3A_122 : memref<10240x80xf32, #tpu.memory_space<vmem_shared>>) offsets(%arg10 : memref<128xi32, #tpu.memory_space<vmem>>) semaphore(%run_scoped3A : memref<!tpu.dma_semaphore, #tpu.memory_space<semaphore_mem>>) {add = true}
        %dma_wait3A = arith.constant 0 : i32
        %dma_wait3A_123 = arith.constant 0 : i32
        %dma_wait3A_124 = tpu.memref_slice %arg16[%dma_wait3A, %dma_wait3A_123] : memref<10240x80xf32, #tpu.memory_space<vmem_shared>> -> memref<10240x80xf32, #tpu.memory_space<vmem_shared>>
        tpu.wait_indirect_dma semaphore(%run_scoped3A : memref<!tpu.dma_semaphore, #tpu.memory_space<semaphore_mem>>) src(%arg15 : memref<128x80xf32, #tpu.memory_space<vmem>>) dst(%dma_wait3A_124 : memref<10240x80xf32, #tpu.memory_space<vmem_shared>>)
        tpu.yield
      }) : () -> ()
      %scan3A_120 = arith.constant 0 : i32
      scf.yield %scan3A_120 : i32
    }
    %scan3A_17 = arith.constant 157 : i32
    %barrier3A_18 = arith.constant 0 : index
    tpu.barrier barrier_id(%barrier3A_18)
    %mul3A_19 = arith.constant 10240 : i32
    %mul3A_20 = arith.muli %arg0, %mul3A_19 : i32
    %add3A_21 = arith.addi %mul3A_20, %mul3A_0 : i32
    "tpu.region"() ({
      %run_scoped3A = tpu.sem_alloc : memref<!tpu.dma_semaphore, #tpu.memory_space<semaphore_mem>>
      %dma_start3A = arith.constant 0 : i32
      %dma_start3A_22 = tpu.memref_slice %arg8[%add3A_21, %dma_start3A] : memref<20480x80xf32, #tpu.memory_space<hbm>> -> memref<640x80xf32, #tpu.memory_space<hbm>>
      %dma_start3A_23 = arith.constant 0 : i32
      %dma_start3A_24 = tpu.memref_slice %arg16[%mul3A_0, %dma_start3A_23] : memref<10240x80xf32, #tpu.memory_space<vmem_shared>> -> memref<640x80xf32, #tpu.memory_space<vmem_shared>>
      tpu.enqueue_dma source(%dma_start3A_24 : memref<640x80xf32, #tpu.memory_space<vmem_shared>>) target(%dma_start3A_22 : memref<640x80xf32, #tpu.memory_space<hbm>>) target_semaphore(%run_scoped3A : memref<!tpu.dma_semaphore, #tpu.memory_space<semaphore_mem>>)
      %dma_wait3A = arith.constant 0 : i32
      %dma_wait3A_25 = tpu.memref_slice %arg8[%add3A_21, %dma_wait3A] : memref<20480x80xf32, #tpu.memory_space<hbm>> -> memref<640x80xf32, #tpu.memory_space<hbm>>
      %dma_wait3A_26 = arith.constant 0 : i32
      %dma_wait3A_27 = tpu.memref_slice %arg16[%mul3A_0, %dma_wait3A_26] : memref<10240x80xf32, #tpu.memory_space<vmem_shared>> -> memref<640x80xf32, #tpu.memory_space<vmem_shared>>
      tpu.wait_dma2 semaphore(%run_scoped3A : memref<!tpu.dma_semaphore, #tpu.memory_space<semaphore_mem>>) src(%dma_wait3A_27 : memref<640x80xf32, #tpu.memory_space<vmem_shared>>) dst(%dma_wait3A_25 : memref<640x80xf32, #tpu.memory_space<hbm>>)
      tpu.yield
    }) : () -> ()
    return
  }
}

module attributes {stable_mosaic.version = 14 : i64} {
  func.func @_tc1_body(%arg0: i32, %arg1: memref<1024x128xf32, #tpu.memory_space<vmem>>, %arg2: memref<128x128xf32, #tpu.memory_space<vmem>>, %arg3: memref<1x128xf32, #tpu.memory_space<vmem>>, %arg4: memref<1x128xf32, #tpu.memory_space<vmem>>, %arg5: memref<2x1024x64xf32, #tpu.memory_space<vmem>>, %arg6: memref<1024x16xf32, #tpu.memory_space<vmem>>, %arg7: memref<1024x16xf32, #tpu.memory_space<vmem>>, %arg8: memref<2x1024x80xf32, #tpu.memory_space<vmem>>) attributes {dimension_semantics = [#tpu.dimension_semantics<arbitrary>], iteration_bounds = array<i64: 10>, scalar_prefetch = 0 : i64, scratch_operands = 0 : i64, tpu.core_type = #tpu.core_type<tc>, window_params = [{transform_indices = @transform_0, window_bounds = array<i64: 1024, 128>}, {pipeline_mode = #tpu.pipeline_mode<synchronous>, transform_indices = @transform_1, window_bounds = array<i64: 128, 128>}, {pipeline_mode = #tpu.pipeline_mode<synchronous>, transform_indices = @transform_2, window_bounds = array<i64: 1, 128>}, {pipeline_mode = #tpu.pipeline_mode<synchronous>, transform_indices = @transform_3, window_bounds = array<i64: 1, 128>}, {transform_indices = @transform_4, window_bounds = array<i64: 2, 1024, 64>}, {transform_indices = @transform_5, window_bounds = array<i64: 1024, 16>}, {transform_indices = @transform_6, window_bounds = array<i64: 1024, 16>}, {transform_indices = @transform_7, window_bounds = array<i64: 2, 1024, 80>}]} {
    %get3A = arith.constant 0 : index
    %get3A_0 = arith.constant 0 : index
    %get3A_1 = vector.load %arg1[%get3A, %get3A_0] : memref<1024x128xf32, #tpu.memory_space<vmem>>, vector<1024x128xf32>
    %get3A_2 = arith.constant 0 : index
    %get3A_3 = arith.constant 0 : index
    %get3A_4 = vector.load %arg2[%get3A_2, %get3A_3] : memref<128x128xf32, #tpu.memory_space<vmem>>, vector<128x128xf32>
    %dot_general3A = arith.constant dense<0.000000e+00> : vector<1024x128xf32>
    %dot_general3A_5 = tpu.matmul %get3A_1, %get3A_4, %dot_general3A {dimension_numbers = #tpu.dot_dimension_numbers<[1], [0], [0], [1], [0, 0, 1, 1], [], []>, transpose_lhs_hint = false} : vector<1024x128xf32>, vector<128x128xf32>, vector<1024x128xf32> -> vector<1024x128xf32>
    %get3A_6 = arith.constant 0 : index
    %get3A_7 = arith.constant 0 : index
    %get3A_8 = vector.load %arg3[%get3A_6, %get3A_7] : memref<1x128xf32, #tpu.memory_space<vmem>>, vector<1x128xf32>
    %mul3A = vector.broadcast %get3A_8 : vector<1x128xf32> to vector<1024x128xf32>
    %mul3A_9 = arith.mulf %dot_general3A_5, %mul3A : vector<1024x128xf32>
    %iota3A = tpu.iota {dimensions = array<i32: 0>} : vector<128x8xi32>
    %iota3A_10 = tpu.iota {dimensions = array<i32: 1>} : vector<128x8xi32>
    %jit3A = arith.constant 16 : i32
    %div3A = vector.broadcast %jit3A : i32 to vector<128x8xi32>
    %div3A_11 = arith.divsi %iota3A, %div3A : vector<128x8xi32>
    %sign3A = arith.constant 0 : i32
    %sign3A_12 = vector.broadcast %sign3A : i32 to vector<128x8xi32>
    %sign3A_13 = arith.cmpi sgt, %iota3A, %sign3A_12 : vector<128x8xi32>
    %sign3A_14 = arith.extui %sign3A_13 : vector<128x8xi1> to vector<128x8xi32>
    %sign3A_15 = arith.constant 0 : i32
    %sign3A_16 = vector.broadcast %sign3A_15 : i32 to vector<128x8xi32>
    %sign3A_17 = arith.cmpi slt, %iota3A, %sign3A_16 : vector<128x8xi32>
    %sign3A_18 = arith.extui %sign3A_17 : vector<128x8xi1> to vector<128x8xi32>
    %sign3A_19 = arith.subi %sign3A_14, %sign3A_18 : vector<128x8xi32>
    %sign3A_20 = arith.constant 0 : i32
    %sign3A_21 = arith.cmpi sgt, %jit3A, %sign3A_20 : i32
    %sign3A_22 = arith.extui %sign3A_21 : i1 to i32
    %sign3A_23 = arith.constant 0 : i32
    %sign3A_24 = arith.cmpi slt, %jit3A, %sign3A_23 : i32
    %sign3A_25 = arith.extui %sign3A_24 : i1 to i32
    %sign3A_26 = arith.subi %sign3A_22, %sign3A_25 : i32
    %ne3A = vector.broadcast %sign3A_26 : i32 to vector<128x8xi32>
    %ne3A_27 = arith.cmpi ne, %sign3A_19, %ne3A : vector<128x8xi32>
    %rem3A = vector.broadcast %jit3A : i32 to vector<128x8xi32>
    %rem3A_28 = arith.remsi %iota3A, %rem3A : vector<128x8xi32>
    %ne3A_29 = arith.constant 0 : i32
    %ne3A_30 = vector.broadcast %ne3A_29 : i32 to vector<128x8xi32>
    %ne3A_31 = arith.cmpi ne, %rem3A_28, %ne3A_30 : vector<128x8xi32>
    %and3A = arith.andi %ne3A_27, %ne3A_31 : vector<128x8xi1>
    %sub3A = arith.constant 1 : i32
    %sub3A_32 = vector.broadcast %sub3A : i32 to vector<128x8xi32>
    %sub3A_33 = arith.subi %div3A_11, %sub3A_32 : vector<128x8xi32>
    %select_n3A = arith.select %and3A, %sub3A_33, %div3A_11 : vector<128x8xi1>, vector<128x8xi32>
    %eq3A = arith.cmpi eq, %select_n3A, %iota3A_10 : vector<128x8xi32>
    %convert_element_type3A = arith.extui %eq3A : vector<128x8xi1> to vector<128x8xi32>
    %convert_element_type3A_34 = arith.sitofp %convert_element_type3A : vector<128x8xi32> to vector<128x8xf32>
    %dot_general3A_35 = arith.constant dense<0.000000e+00> : vector<1024x8xf32>
    %dot_general3A_36 = tpu.matmul %mul3A_9, %convert_element_type3A_34, %dot_general3A_35 {dimension_numbers = #tpu.dot_dimension_numbers<[1], [0], [0], [1], [0, 0, 1, 1], [], []>, transpose_lhs_hint = false} : vector<1024x128xf32>, vector<128x8xf32>, vector<1024x8xf32> -> vector<1024x8xf32>
    %get3A_37 = arith.constant 0 : index
    %get3A_38 = arith.constant 0 : index
    %get3A_39 = vector.load %arg4[%get3A_37, %get3A_38] : memref<1x128xf32, #tpu.memory_space<vmem>>, vector<1x128xf32>
    %mul3A_40 = vector.broadcast %get3A_39 : vector<1x128xf32> to vector<1024x128xf32>
    %mul3A_41 = arith.mulf %dot_general3A_5, %mul3A_40 : vector<1024x128xf32>
    %iota3A_42 = tpu.iota {dimensions = array<i32: 0>} : vector<128x8xi32>
    %iota3A_43 = tpu.iota {dimensions = array<i32: 1>} : vector<128x8xi32>
    %jit3A_44 = arith.constant 16 : i32
    %div3A_45 = vector.broadcast %jit3A_44 : i32 to vector<128x8xi32>
    %div3A_46 = arith.divsi %iota3A_42, %div3A_45 : vector<128x8xi32>
    %sign3A_47 = arith.constant 0 : i32
    %sign3A_48 = vector.broadcast %sign3A_47 : i32 to vector<128x8xi32>
    %sign3A_49 = arith.cmpi sgt, %iota3A_42, %sign3A_48 : vector<128x8xi32>
    %sign3A_50 = arith.extui %sign3A_49 : vector<128x8xi1> to vector<128x8xi32>
    %sign3A_51 = arith.constant 0 : i32
    %sign3A_52 = vector.broadcast %sign3A_51 : i32 to vector<128x8xi32>
    %sign3A_53 = arith.cmpi slt, %iota3A_42, %sign3A_52 : vector<128x8xi32>
    %sign3A_54 = arith.extui %sign3A_53 : vector<128x8xi1> to vector<128x8xi32>
    %sign3A_55 = arith.subi %sign3A_50, %sign3A_54 : vector<128x8xi32>
    %sign3A_56 = arith.constant 0 : i32
    %sign3A_57 = arith.cmpi sgt, %jit3A_44, %sign3A_56 : i32
    %sign3A_58 = arith.extui %sign3A_57 : i1 to i32
    %sign3A_59 = arith.constant 0 : i32
    %sign3A_60 = arith.cmpi slt, %jit3A_44, %sign3A_59 : i32
    %sign3A_61 = arith.extui %sign3A_60 : i1 to i32
    %sign3A_62 = arith.subi %sign3A_58, %sign3A_61 : i32
    %ne3A_63 = vector.broadcast %sign3A_62 : i32 to vector<128x8xi32>
    %ne3A_64 = arith.cmpi ne, %sign3A_55, %ne3A_63 : vector<128x8xi32>
    %rem3A_65 = vector.broadcast %jit3A_44 : i32 to vector<128x8xi32>
    %rem3A_66 = arith.remsi %iota3A_42, %rem3A_65 : vector<128x8xi32>
    %ne3A_67 = arith.constant 0 : i32
    %ne3A_68 = vector.broadcast %ne3A_67 : i32 to vector<128x8xi32>
    %ne3A_69 = arith.cmpi ne, %rem3A_66, %ne3A_68 : vector<128x8xi32>
    %and3A_70 = arith.andi %ne3A_64, %ne3A_69 : vector<128x8xi1>
    %sub3A_71 = arith.constant 1 : i32
    %sub3A_72 = vector.broadcast %sub3A_71 : i32 to vector<128x8xi32>
    %sub3A_73 = arith.subi %div3A_46, %sub3A_72 : vector<128x8xi32>
    %select_n3A_74 = arith.select %and3A_70, %sub3A_73, %div3A_46 : vector<128x8xi1>, vector<128x8xi32>
    %eq3A_75 = arith.cmpi eq, %select_n3A_74, %iota3A_43 : vector<128x8xi32>
    %convert_element_type3A_76 = arith.extui %eq3A_75 : vector<128x8xi1> to vector<128x8xi32>
    %convert_element_type3A_77 = arith.sitofp %convert_element_type3A_76 : vector<128x8xi32> to vector<128x8xf32>
    %dot_general3A_78 = arith.constant dense<0.000000e+00> : vector<1024x8xf32>
    %dot_general3A_79 = tpu.matmul %mul3A_41, %convert_element_type3A_77, %dot_general3A_78 {dimension_numbers = #tpu.dot_dimension_numbers<[1], [0], [0], [1], [0, 0, 1, 1], [], []>, transpose_lhs_hint = false} : vector<1024x128xf32>, vector<128x8xf32>, vector<1024x8xf32> -> vector<1024x8xf32>
    %mul3A_80 = arith.constant 1024 : i32
    %mul3A_81 = arith.muli %arg0, %mul3A_80 : i32
    %iota3A_82 = tpu.iota {dimensions = array<i32: 0>} : vector<1024x1xi32>
    %add3A = vector.broadcast %mul3A_81 : i32 to vector<1024x1xi32>
    %add3A_83 = arith.addi %add3A, %iota3A_82 : vector<1024x1xi32>
    %lt3A = arith.constant 10000 : i32
    %lt3A_84 = vector.broadcast %lt3A : i32 to vector<1024x1xi32>
    %lt3A_85 = arith.cmpi slt, %add3A_83, %lt3A_84 : vector<1024x1xi32>
    %jit3A_86 = arith.constant -1.000000e+30 : f32
    %broadcast_in_dim3A = vector.shape_cast %lt3A_85 : vector<1024x1xi1> to vector<1024x1xi1>
    %broadcast_in_dim3A_87 = vector.broadcast %broadcast_in_dim3A : vector<1024x1xi1> to vector<1024x8xi1>
    %broadcast_in_dim3A_88 = vector.broadcast %jit3A_86 : f32 to vector<1024x8xf32>
    %select_n3A_89 = arith.select %broadcast_in_dim3A_87, %dot_general3A_36, %broadcast_in_dim3A_88 : vector<1024x8xi1>, vector<1024x8xf32>
    %iota3A_90 = tpu.iota {dimensions = array<i32: 0>} : vector<8x16xi32>
    %iota3A_91 = tpu.iota {dimensions = array<i32: 1>} : vector<8x16xi32>
    %eq3A_92 = arith.cmpi eq, %iota3A_90, %iota3A_91 : vector<8x16xi32>
    %convert_element_type3A_93 = arith.extui %eq3A_92 : vector<8x16xi1> to vector<8x16xi32>
    %convert_element_type3A_94 = arith.sitofp %convert_element_type3A_93 : vector<8x16xi32> to vector<8x16xf32>
    %dot_general3A_95 = arith.constant dense<0.000000e+00> : vector<1024x16xf32>
    %dot_general3A_96 = tpu.matmul %select_n3A_89, %convert_element_type3A_94, %dot_general3A_95 {dimension_numbers = #tpu.dot_dimension_numbers<[1], [0], [0], [1], [0, 0, 1, 1], [], []>, transpose_lhs_hint = false} : vector<1024x8xf32>, vector<8x16xf32>, vector<1024x16xf32> -> vector<1024x16xf32>
    %swap3A = arith.constant 0 : index
    %swap3A_97 = arith.constant 0 : index
    %swap3A_98 = vector.load %arg6[%swap3A, %swap3A_97] : memref<1024x16xf32, #tpu.memory_space<vmem>>, vector<1024x16xf32>
    tpu.vector_store %arg6[%swap3A, %swap3A_97], %dot_general3A_96 {strides = array<i32>} : memref<1024x16xf32, #tpu.memory_space<vmem>>, vector<1024x16xf32>,
    %jit3A_99 = arith.constant 0.000000e+00 : f32
    %broadcast_in_dim3A_100 = vector.shape_cast %lt3A_85 : vector<1024x1xi1> to vector<1024x1xi1>
    %broadcast_in_dim3A_101 = vector.broadcast %broadcast_in_dim3A_100 : vector<1024x1xi1> to vector<1024x8xi1>
    %broadcast_in_dim3A_102 = vector.broadcast %jit3A_99 : f32 to vector<1024x8xf32>
    %select_n3A_103 = arith.select %broadcast_in_dim3A_101, %dot_general3A_79, %broadcast_in_dim3A_102 : vector<1024x8xi1>, vector<1024x8xf32>
    %iota3A_104 = tpu.iota {dimensions = array<i32: 0>} : vector<8x16xi32>
    %iota3A_105 = tpu.iota {dimensions = array<i32: 1>} : vector<8x16xi32>
    %eq3A_106 = arith.cmpi eq, %iota3A_104, %iota3A_105 : vector<8x16xi32>
    %convert_element_type3A_107 = arith.extui %eq3A_106 : vector<8x16xi1> to vector<8x16xi32>
    %convert_element_type3A_108 = arith.sitofp %convert_element_type3A_107 : vector<8x16xi32> to vector<8x16xf32>
    %dot_general3A_109 = arith.constant dense<0.000000e+00> : vector<1024x16xf32>
    %dot_general3A_110 = tpu.matmul %select_n3A_103, %convert_element_type3A_108, %dot_general3A_109 {dimension_numbers = #tpu.dot_dimension_numbers<[1], [0], [0], [1], [0, 0, 1, 1], [], []>, transpose_lhs_hint = false} : vector<1024x8xf32>, vector<8x16xf32>, vector<1024x16xf32> -> vector<1024x16xf32>
    %swap3A_111 = arith.constant 0 : index
    %swap3A_112 = arith.constant 0 : index
    %swap3A_113 = vector.load %arg7[%swap3A_111, %swap3A_112] : memref<1024x16xf32, #tpu.memory_space<vmem>>, vector<1024x16xf32>
    tpu.vector_store %arg7[%swap3A_111, %swap3A_112], %dot_general3A_110 {strides = array<i32>} : memref<1024x16xf32, #tpu.memory_space<vmem>>, vector<1024x16xf32>,
    %add3A_114 = arith.addf %dot_general3A_36, %dot_general3A_79 : vector<1024x8xf32>
    %ge3A = arith.constant 0.000000e+00 : f32
    %ge3A_115 = vector.broadcast %ge3A : f32 to vector<1024x8xf32>
    %ge3A_116 = arith.cmpf oge, %add3A_114, %ge3A_115 : vector<1024x8xf32>
    %mul3A_117 = arith.constant 2.000000e-01 : f32
    %mul3A_118 = vector.broadcast %mul3A_117 : f32 to vector<1024x8xf32>
    %mul3A_119 = arith.mulf %add3A_114, %mul3A_118 : vector<1024x8xf32>
    %select_n3A_120 = arith.select %ge3A_116, %add3A_114, %mul3A_119 : vector<1024x8xi1>, vector<1024x8xf32>
    %exp3A = math.exp %select_n3A_120 : vector<1024x8xf32>
    %jit3A_121 = arith.constant 1.000000e+00 : f32
    %broadcast_in_dim3A_122 = vector.shape_cast %lt3A_85 : vector<1024x1xi1> to vector<1024x1xi1>
    %broadcast_in_dim3A_123 = vector.broadcast %broadcast_in_dim3A_122 : vector<1024x1xi1> to vector<1024x8xi1>
    %broadcast_in_dim3A_124 = vector.broadcast %jit3A_121 : f32 to vector<1024x8xf32>
    %select_n3A_125 = arith.select %broadcast_in_dim3A_123, %exp3A, %broadcast_in_dim3A_124 : vector<1024x8xi1>, vector<1024x8xf32>
    %slice3A = vector.extract_strided_slice %dot_general3A_5 {offsets = [0, 0], sizes = [1024, 64], strides = [1, 1]} : vector<1024x128xf32> to vector<1024x64xf32>
    %swap3A_126 = arith.constant 0 : index
    %swap3A_127 = arith.constant 0 : index
    %swap3A_128 = arith.constant 0 : index
    %swap3A_129 = vector.load %arg5[%swap3A_126, %swap3A_127, %swap3A_128] : memref<2x1024x64xf32, #tpu.memory_space<vmem>>, vector<1x1024x64xf32>
    %swap3A_130 = vector.shape_cast %swap3A_129 : vector<1x1024x64xf32> to vector<1024x64xf32>
    %swap3A_131 = vector.shape_cast %slice3A : vector<1024x64xf32> to vector<1x1024x64xf32>
    tpu.vector_store %arg5[%swap3A_126, %swap3A_127, %swap3A_128], %swap3A_131 {strides = array<i32>} : memref<2x1024x64xf32, #tpu.memory_space<vmem>>, vector<1x1024x64xf32>,
    %slice3A_132 = vector.extract_strided_slice %exp3A {offsets = [0, 0], sizes = [1024, 4], strides = [1, 1]} : vector<1024x8xf32> to vector<1024x4xf32>
    %iota3A_133 = tpu.iota {dimensions = array<i32: 0>} : vector<4x64xi32>
    %iota3A_134 = tpu.iota {dimensions = array<i32: 1>} : vector<4x64xi32>
    %jit3A_135 = arith.constant 16 : i32
    %div3A_136 = vector.broadcast %jit3A_135 : i32 to vector<4x64xi32>
    %div3A_137 = arith.divsi %iota3A_134, %div3A_136 : vector<4x64xi32>
    %sign3A_138 = arith.constant 0 : i32
    %sign3A_139 = vector.broadcast %sign3A_138 : i32 to vector<4x64xi32>
    %sign3A_140 = arith.cmpi sgt, %iota3A_134, %sign3A_139 : vector<4x64xi32>
    %sign3A_141 = arith.extui %sign3A_140 : vector<4x64xi1> to vector<4x64xi32>
    %sign3A_142 = arith.constant 0 : i32
    %sign3A_143 = vector.broadcast %sign3A_142 : i32 to vector<4x64xi32>
    %sign3A_144 = arith.cmpi slt, %iota3A_134, %sign3A_143 : vector<4x64xi32>
    %sign3A_145 = arith.extui %sign3A_144 : vector<4x64xi1> to vector<4x64xi32>
    %sign3A_146 = arith.subi %sign3A_141, %sign3A_145 : vector<4x64xi32>
    %sign3A_147 = arith.constant 0 : i32
    %sign3A_148 = arith.cmpi sgt, %jit3A_135, %sign3A_147 : i32
    %sign3A_149 = arith.extui %sign3A_148 : i1 to i32
    %sign3A_150 = arith.constant 0 : i32
    %sign3A_151 = arith.cmpi slt, %jit3A_135, %sign3A_150 : i32
    %sign3A_152 = arith.extui %sign3A_151 : i1 to i32
    %sign3A_153 = arith.subi %sign3A_149, %sign3A_152 : i32
    %ne3A_154 = vector.broadcast %sign3A_153 : i32 to vector<4x64xi32>
    %ne3A_155 = arith.cmpi ne, %sign3A_146, %ne3A_154 : vector<4x64xi32>
    %rem3A_156 = vector.broadcast %jit3A_135 : i32 to vector<4x64xi32>
    %rem3A_157 = arith.remsi %iota3A_134, %rem3A_156 : vector<4x64xi32>
    %ne3A_158 = arith.constant 0 : i32
    %ne3A_159 = vector.broadcast %ne3A_158 : i32 to vector<4x64xi32>
    %ne3A_160 = arith.cmpi ne, %rem3A_157, %ne3A_159 : vector<4x64xi32>
    %and3A_161 = arith.andi %ne3A_155, %ne3A_160 : vector<4x64xi1>
    %sub3A_162 = arith.constant 1 : i32
    %sub3A_163 = vector.broadcast %sub3A_162 : i32 to vector<4x64xi32>
    %sub3A_164 = arith.subi %div3A_137, %sub3A_163 : vector<4x64xi32>
    %select_n3A_165 = arith.select %and3A_161, %sub3A_164, %div3A_137 : vector<4x64xi1>, vector<4x64xi32>
    %eq3A_166 = arith.cmpi eq, %select_n3A_165, %iota3A_133 : vector<4x64xi32>
    %convert_element_type3A_167 = arith.extui %eq3A_166 : vector<4x64xi1> to vector<4x64xi32>
    %convert_element_type3A_168 = arith.sitofp %convert_element_type3A_167 : vector<4x64xi32> to vector<4x64xf32>
    %dot_general3A_169 = arith.constant dense<0.000000e+00> : vector<1024x64xf32>
    %dot_general3A_170 = tpu.matmul %slice3A_132, %convert_element_type3A_168, %dot_general3A_169 {dimension_numbers = #tpu.dot_dimension_numbers<[1], [0], [0], [1], [0, 0, 1, 1], [], []>, transpose_lhs_hint = false} : vector<1024x4xf32>, vector<4x64xf32>, vector<1024x64xf32> -> vector<1024x64xf32>
    %mul3A_171 = arith.mulf %slice3A, %dot_general3A_170 : vector<1024x64xf32>
    %swap3A_172 = arith.constant 0 : index
    %swap3A_173 = arith.constant 0 : index
    %swap3A_174 = arith.constant 0 : index
    %swap3A_175 = vector.load %arg8[%swap3A_172, %swap3A_173, %swap3A_174] : memref<2x1024x80xf32, #tpu.memory_space<vmem>>, vector<1x1024x64xf32>
    %swap3A_176 = vector.shape_cast %swap3A_175 : vector<1x1024x64xf32> to vector<1024x64xf32>
    %swap3A_177 = vector.shape_cast %mul3A_171 : vector<1024x64xf32> to vector<1x1024x64xf32>
    tpu.vector_store %arg8[%swap3A_172, %swap3A_173, %swap3A_174], %swap3A_177 {strides = array<i32>} : memref<2x1024x80xf32, #tpu.memory_space<vmem>>, vector<1x1024x64xf32>,
    %slice3A_178 = vector.extract_strided_slice %select_n3A_125 {offsets = [0, 0], sizes = [1024, 4], strides = [1, 1]} : vector<1024x8xf32> to vector<1024x4xf32>
    %swap3A_179 = arith.constant 0 : index
    %swap3A_180 = arith.constant 0 : index
    %swap3A_181 = arith.constant 64 : index
    %swap3A_182 = vector.load %arg8[%swap3A_179, %swap3A_180, %swap3A_181] : memref<2x1024x80xf32, #tpu.memory_space<vmem>>, vector<1x1024x4xf32>
    %swap3A_183 = vector.shape_cast %swap3A_182 : vector<1x1024x4xf32> to vector<1024x4xf32>
    %swap3A_184 = vector.shape_cast %slice3A_178 : vector<1024x4xf32> to vector<1x1024x4xf32>
    tpu.vector_store %arg8[%swap3A_179, %swap3A_180, %swap3A_181], %swap3A_184 {strides = array<i32>} : memref<2x1024x80xf32, #tpu.memory_space<vmem>>, vector<1x1024x4xf32>,
    %broadcast_in_dim3A_185 = arith.constant 0.000000e+00 : f32
    %broadcast_in_dim3A_186 = vector.broadcast %broadcast_in_dim3A_185 : f32 to vector<1024x12xf32>
    %swap3A_187 = arith.constant 0 : index
    %swap3A_188 = arith.constant 0 : index
    %swap3A_189 = arith.constant 68 : index
    %swap3A_190 = vector.load %arg8[%swap3A_187, %swap3A_188, %swap3A_189] : memref<2x1024x80xf32, #tpu.memory_space<vmem>>, vector<1x1024x12xf32>
    %swap3A_191 = vector.shape_cast %swap3A_190 : vector<1x1024x12xf32> to vector<1024x12xf32>
    %swap3A_192 = vector.shape_cast %broadcast_in_dim3A_186 : vector<1024x12xf32> to vector<1x1024x12xf32>
    tpu.vector_store %arg8[%swap3A_187, %swap3A_188, %swap3A_189], %swap3A_192 {strides = array<i32>} : memref<2x1024x80xf32, #tpu.memory_space<vmem>>, vector<1x1024x12xf32>,
    %slice3A_193 = vector.extract_strided_slice %dot_general3A_5 {offsets = [0, 64], sizes = [1024, 64], strides = [1, 1]} : vector<1024x128xf32> to vector<1024x64xf32>
    %swap3A_194 = arith.constant 1 : index
    %swap3A_195 = arith.constant 0 : index
    %swap3A_196 = arith.constant 0 : index
    %swap3A_197 = vector.load %arg5[%swap3A_194, %swap3A_195, %swap3A_196] : memref<2x1024x64xf32, #tpu.memory_space<vmem>>, vector<1x1024x64xf32>
    %swap3A_198 = vector.shape_cast %swap3A_197 : vector<1x1024x64xf32> to vector<1024x64xf32>
    %swap3A_199 = vector.shape_cast %slice3A_193 : vector<1024x64xf32> to vector<1x1024x64xf32>
    tpu.vector_store %arg5[%swap3A_194, %swap3A_195, %swap3A_196], %swap3A_199 {strides = array<i32>} : memref<2x1024x64xf32, #tpu.memory_space<vmem>>, vector<1x1024x64xf32>,
    %slice3A_200 = vector.extract_strided_slice %exp3A {offsets = [0, 4], sizes = [1024, 4], strides = [1, 1]} : vector<1024x8xf32> to vector<1024x4xf32>
    %iota3A_201 = tpu.iota {dimensions = array<i32: 0>} : vector<4x64xi32>
    %iota3A_202 = tpu.iota {dimensions = array<i32: 1>} : vector<4x64xi32>
    %jit3A_203 = arith.constant 16 : i32
    %div3A_204 = vector.broadcast %jit3A_203 : i32 to vector<4x64xi32>
    %div3A_205 = arith.divsi %iota3A_202, %div3A_204 : vector<4x64xi32>
    %sign3A_206 = arith.constant 0 : i32
    %sign3A_207 = vector.broadcast %sign3A_206 : i32 to vector<4x64xi32>
    %sign3A_208 = arith.cmpi sgt, %iota3A_202, %sign3A_207 : vector<4x64xi32>
    %sign3A_209 = arith.extui %sign3A_208 : vector<4x64xi1> to vector<4x64xi32>
    %sign3A_210 = arith.constant 0 : i32
    %sign3A_211 = vector.broadcast %sign3A_210 : i32 to vector<4x64xi32>
    %sign3A_212 = arith.cmpi slt, %iota3A_202, %sign3A_211 : vector<4x64xi32>
    %sign3A_213 = arith.extui %sign3A_212 : vector<4x64xi1> to vector<4x64xi32>
    %sign3A_214 = arith.subi %sign3A_209, %sign3A_213 : vector<4x64xi32>
    %sign3A_215 = arith.constant 0 : i32
    %sign3A_216 = arith.cmpi sgt, %jit3A_203, %sign3A_215 : i32
    %sign3A_217 = arith.extui %sign3A_216 : i1 to i32
    %sign3A_218 = arith.constant 0 : i32
    %sign3A_219 = arith.cmpi slt, %jit3A_203, %sign3A_218 : i32
    %sign3A_220 = arith.extui %sign3A_219 : i1 to i32
    %sign3A_221 = arith.subi %sign3A_217, %sign3A_220 : i32
    %ne3A_222 = vector.broadcast %sign3A_221 : i32 to vector<4x64xi32>
    %ne3A_223 = arith.cmpi ne, %sign3A_214, %ne3A_222 : vector<4x64xi32>
    %rem3A_224 = vector.broadcast %jit3A_203 : i32 to vector<4x64xi32>
    %rem3A_225 = arith.remsi %iota3A_202, %rem3A_224 : vector<4x64xi32>
    %ne3A_226 = arith.constant 0 : i32
    %ne3A_227 = vector.broadcast %ne3A_226 : i32 to vector<4x64xi32>
    %ne3A_228 = arith.cmpi ne, %rem3A_225, %ne3A_227 : vector<4x64xi32>
    %and3A_229 = arith.andi %ne3A_223, %ne3A_228 : vector<4x64xi1>
    %sub3A_230 = arith.constant 1 : i32
    %sub3A_231 = vector.broadcast %sub3A_230 : i32 to vector<4x64xi32>
    %sub3A_232 = arith.subi %div3A_205, %sub3A_231 : vector<4x64xi32>
    %select_n3A_233 = arith.select %and3A_229, %sub3A_232, %div3A_205 : vector<4x64xi1>, vector<4x64xi32>
    %eq3A_234 = arith.cmpi eq, %select_n3A_233, %iota3A_201 : vector<4x64xi32>
    %convert_element_type3A_235 = arith.extui %eq3A_234 : vector<4x64xi1> to vector<4x64xi32>
    %convert_element_type3A_236 = arith.sitofp %convert_element_type3A_235 : vector<4x64xi32> to vector<4x64xf32>
    %dot_general3A_237 = arith.constant dense<0.000000e+00> : vector<1024x64xf32>
    %dot_general3A_238 = tpu.matmul %slice3A_200, %convert_element_type3A_236, %dot_general3A_237 {dimension_numbers = #tpu.dot_dimension_numbers<[1], [0], [0], [1], [0, 0, 1, 1], [], []>, transpose_lhs_hint = false} : vector<1024x4xf32>, vector<4x64xf32>, vector<1024x64xf32> -> vector<1024x64xf32>
    %mul3A_239 = arith.mulf %slice3A_193, %dot_general3A_238 : vector<1024x64xf32>
    %swap3A_240 = arith.constant 1 : index
    %swap3A_241 = arith.constant 0 : index
    %swap3A_242 = arith.constant 0 : index
    %swap3A_243 = vector.load %arg8[%swap3A_240, %swap3A_241, %swap3A_242] : memref<2x1024x80xf32, #tpu.memory_space<vmem>>, vector<1x1024x64xf32>
    %swap3A_244 = vector.shape_cast %swap3A_243 : vector<1x1024x64xf32> to vector<1024x64xf32>
    %swap3A_245 = vector.shape_cast %mul3A_239 : vector<1024x64xf32> to vector<1x1024x64xf32>
    tpu.vector_store %arg8[%swap3A_240, %swap3A_241, %swap3A_242], %swap3A_245 {strides = array<i32>} : memref<2x1024x80xf32, #tpu.memory_space<vmem>>, vector<1x1024x64xf32>,
    %slice3A_246 = vector.extract_strided_slice %select_n3A_125 {offsets = [0, 4], sizes = [1024, 4], strides = [1, 1]} : vector<1024x8xf32> to vector<1024x4xf32>
    %swap3A_247 = arith.constant 1 : index
    %swap3A_248 = arith.constant 0 : index
    %swap3A_249 = arith.constant 64 : index
    %swap3A_250 = vector.load %arg8[%swap3A_247, %swap3A_248, %swap3A_249] : memref<2x1024x80xf32, #tpu.memory_space<vmem>>, vector<1x1024x4xf32>
    %swap3A_251 = vector.shape_cast %swap3A_250 : vector<1x1024x4xf32> to vector<1024x4xf32>
    %swap3A_252 = vector.shape_cast %slice3A_246 : vector<1024x4xf32> to vector<1x1024x4xf32>
    tpu.vector_store %arg8[%swap3A_247, %swap3A_248, %swap3A_249], %swap3A_252 {strides = array<i32>} : memref<2x1024x80xf32, #tpu.memory_space<vmem>>, vector<1x1024x4xf32>,
    %broadcast_in_dim3A_253 = arith.constant 0.000000e+00 : f32
    %broadcast_in_dim3A_254 = vector.broadcast %broadcast_in_dim3A_253 : f32 to vector<1024x12xf32>
    %swap3A_255 = arith.constant 1 : index
    %swap3A_256 = arith.constant 0 : index
    %swap3A_257 = arith.constant 68 : index
    %swap3A_258 = vector.load %arg8[%swap3A_255, %swap3A_256, %swap3A_257] : memref<2x1024x80xf32, #tpu.memory_space<vmem>>, vector<1x1024x12xf32>
    %swap3A_259 = vector.shape_cast %swap3A_258 : vector<1x1024x12xf32> to vector<1024x12xf32>
    %swap3A_260 = vector.shape_cast %broadcast_in_dim3A_254 : vector<1024x12xf32> to vector<1x1024x12xf32>
    tpu.vector_store %arg8[%swap3A_255, %swap3A_256, %swap3A_257], %swap3A_260 {strides = array<i32>} : memref<2x1024x80xf32, #tpu.memory_space<vmem>>, vector<1x1024x12xf32>,
    return
  }
  func.func @transform_0(%arg0: i32) -> (i32, i32) {
    %c0_i32 = arith.constant 0 : i32
    %c0_i32_0 = arith.constant 0 : i32
    return %arg0, %c0_i32 : i32, i32
  }
  func.func @transform_1(%arg0: i32) -> (i32, i32) {
    %c0_i32 = arith.constant 0 : i32
    %c0_i32_0 = arith.constant 0 : i32
    %c0_i32_1 = arith.constant 0 : i32
    return %c0_i32, %c0_i32_0 : i32, i32
  }
  func.func @transform_2(%arg0: i32) -> (i32, i32) {
    %c0_i32 = arith.constant 0 : i32
    %c0_i32_0 = arith.constant 0 : i32
    %c0_i32_1 = arith.constant 0 : i32
    return %c0_i32, %c0_i32_0 : i32, i32
  }
  func.func @transform_3(%arg0: i32) -> (i32, i32) {
    %c0_i32 = arith.constant 0 : i32
    %c0_i32_0 = arith.constant 0 : i32
    %c0_i32_1 = arith.constant 0 : i32
    return %c0_i32, %c0_i32_0 : i32, i32
  }
  func.func @transform_4(%arg0: i32) -> (i32, i32, i32) {
    %c0_i32 = arith.constant 0 : i32
    %c0_i32_0 = arith.constant 0 : i32
    %c0_i32_1 = arith.constant 0 : i32
    return %c0_i32, %arg0, %c0_i32_0 : i32, i32, i32
  }
  func.func @transform_5(%arg0: i32) -> (i32, i32) {
    %c0_i32 = arith.constant 0 : i32
    %c0_i32_0 = arith.constant 0 : i32
    return %arg0, %c0_i32 : i32, i32
  }
  func.func @transform_6(%arg0: i32) -> (i32, i32) {
    %c0_i32 = arith.constant 0 : i32
    %c0_i32_0 = arith.constant 0 : i32
    return %arg0, %c0_i32 : i32, i32
  }
  func.func @transform_7(%arg0: i32) -> (i32, i32, i32) {
    %c0_i32 = arith.constant 0 : i32
    %c0_i32_0 = arith.constant 0 : i32
    %c0_i32_1 = arith.constant 0 : i32
    return %c0_i32, %arg0, %c0_i32_0 : i32, i32, i32
  }
}

module attributes {stable_mosaic.version = 14 : i64} {
  func.func @_tc2_body(%arg0: i32, %arg1: memref<2x1024x80xf32, #tpu.memory_space<vmem>>, %arg2: memref<128x128xf32, #tpu.memory_space<vmem>>, %arg3: memref<1x128xf32, #tpu.memory_space<vmem>>, %arg4: memref<1x128xf32, #tpu.memory_space<vmem>>, %arg5: memref<1x128xf32, #tpu.memory_space<vmem>>, %arg6: memref<2x1024x64xf32, #tpu.memory_space<vmem>>, %arg7: memref<1024x16xf32, #tpu.memory_space<vmem>>, %arg8: memref<1024x16xf32, #tpu.memory_space<vmem>>, %arg9: memref<2x1024x80xf32, #tpu.memory_space<vmem>>) attributes {dimension_semantics = [#tpu.dimension_semantics<arbitrary>], iteration_bounds = array<i64: 10>, scalar_prefetch = 0 : i64, scratch_operands = 0 : i64, tpu.core_type = #tpu.core_type<tc>, window_params = [{transform_indices = @transform_0, window_bounds = array<i64: 2, 1024, 80>}, {pipeline_mode = #tpu.pipeline_mode<synchronous>, transform_indices = @transform_1, window_bounds = array<i64: 128, 128>}, {pipeline_mode = #tpu.pipeline_mode<synchronous>, transform_indices = @transform_2, window_bounds = array<i64: 1, 128>}, {pipeline_mode = #tpu.pipeline_mode<synchronous>, transform_indices = @transform_3, window_bounds = array<i64: 1, 128>}, {pipeline_mode = #tpu.pipeline_mode<synchronous>, transform_indices = @transform_4, window_bounds = array<i64: 1, 128>}, {transform_indices = @transform_5, window_bounds = array<i64: 2, 1024, 64>}, {transform_indices = @transform_6, window_bounds = array<i64: 1024, 16>}, {transform_indices = @transform_7, window_bounds = array<i64: 1024, 16>}, {transform_indices = @transform_8, window_bounds = array<i64: 2, 1024, 80>}]} {
    %get3A = arith.constant 0 : index
    %get3A_0 = arith.constant 0 : index
    %get3A_1 = arith.constant 0 : index
    %get3A_2 = vector.load %arg1[%get3A, %get3A_0, %get3A_1] : memref<2x1024x80xf32, #tpu.memory_space<vmem>>, vector<1x1024x64xf32>
    %get3A_3 = vector.shape_cast %get3A_2 : vector<1x1024x64xf32> to vector<1024x64xf32>
    %get3A_4 = arith.constant 0 : index
    %get3A_5 = arith.constant 0 : index
    %get3A_6 = arith.constant 64 : index
    %get3A_7 = vector.load %arg1[%get3A_4, %get3A_5, %get3A_6] : memref<2x1024x80xf32, #tpu.memory_space<vmem>>, vector<1x1024x4xf32>
    %get3A_8 = vector.shape_cast %get3A_7 : vector<1x1024x4xf32> to vector<1024x4xf32>
    %iota3A = tpu.iota {dimensions = array<i32: 0>} : vector<4x64xi32>
    %iota3A_9 = tpu.iota {dimensions = array<i32: 1>} : vector<4x64xi32>
    %jit3A = arith.constant 16 : i32
    %div3A = vector.broadcast %jit3A : i32 to vector<4x64xi32>
    %div3A_10 = arith.divsi %iota3A_9, %div3A : vector<4x64xi32>
    %sign3A = arith.constant 0 : i32
    %sign3A_11 = vector.broadcast %sign3A : i32 to vector<4x64xi32>
    %sign3A_12 = arith.cmpi sgt, %iota3A_9, %sign3A_11 : vector<4x64xi32>
    %sign3A_13 = arith.extui %sign3A_12 : vector<4x64xi1> to vector<4x64xi32>
    %sign3A_14 = arith.constant 0 : i32
    %sign3A_15 = vector.broadcast %sign3A_14 : i32 to vector<4x64xi32>
    %sign3A_16 = arith.cmpi slt, %iota3A_9, %sign3A_15 : vector<4x64xi32>
    %sign3A_17 = arith.extui %sign3A_16 : vector<4x64xi1> to vector<4x64xi32>
    %sign3A_18 = arith.subi %sign3A_13, %sign3A_17 : vector<4x64xi32>
    %sign3A_19 = arith.constant 0 : i32
    %sign3A_20 = arith.cmpi sgt, %jit3A, %sign3A_19 : i32
    %sign3A_21 = arith.extui %sign3A_20 : i1 to i32
    %sign3A_22 = arith.constant 0 : i32
    %sign3A_23 = arith.cmpi slt, %jit3A, %sign3A_22 : i32
    %sign3A_24 = arith.extui %sign3A_23 : i1 to i32
    %sign3A_25 = arith.subi %sign3A_21, %sign3A_24 : i32
    %ne3A = vector.broadcast %sign3A_25 : i32 to vector<4x64xi32>
    %ne3A_26 = arith.cmpi ne, %sign3A_18, %ne3A : vector<4x64xi32>
    %rem3A = vector.broadcast %jit3A : i32 to vector<4x64xi32>
    %rem3A_27 = arith.remsi %iota3A_9, %rem3A : vector<4x64xi32>
    %ne3A_28 = arith.constant 0 : i32
    %ne3A_29 = vector.broadcast %ne3A_28 : i32 to vector<4x64xi32>
    %ne3A_30 = arith.cmpi ne, %rem3A_27, %ne3A_29 : vector<4x64xi32>
    %and3A = arith.andi %ne3A_26, %ne3A_30 : vector<4x64xi1>
    %sub3A = arith.constant 1 : i32
    %sub3A_31 = vector.broadcast %sub3A : i32 to vector<4x64xi32>
    %sub3A_32 = arith.subi %div3A_10, %sub3A_31 : vector<4x64xi32>
    %select_n3A = arith.select %and3A, %sub3A_32, %div3A_10 : vector<4x64xi1>, vector<4x64xi32>
    %eq3A = arith.cmpi eq, %select_n3A, %iota3A : vector<4x64xi32>
    %convert_element_type3A = arith.extui %eq3A : vector<4x64xi1> to vector<4x64xi32>
    %convert_element_type3A_33 = arith.sitofp %convert_element_type3A : vector<4x64xi32> to vector<4x64xf32>
    %dot_general3A = arith.constant dense<0.000000e+00> : vector<1024x64xf32>
    %dot_general3A_34 = tpu.matmul %get3A_8, %convert_element_type3A_33, %dot_general3A {dimension_numbers = #tpu.dot_dimension_numbers<[1], [0], [0], [1], [0, 0, 1, 1], [], []>, transpose_lhs_hint = false} : vector<1024x4xf32>, vector<4x64xf32>, vector<1024x64xf32> -> vector<1024x64xf32>
    %div3A_35 = arith.divf %get3A_3, %dot_general3A_34 : vector<1024x64xf32>
    %get3A_36 = arith.constant 1 : index
    %get3A_37 = arith.constant 0 : index
    %get3A_38 = arith.constant 0 : index
    %get3A_39 = vector.load %arg1[%get3A_36, %get3A_37, %get3A_38] : memref<2x1024x80xf32, #tpu.memory_space<vmem>>, vector<1x1024x64xf32>
    %get3A_40 = vector.shape_cast %get3A_39 : vector<1x1024x64xf32> to vector<1024x64xf32>
    %get3A_41 = arith.constant 1 : index
    %get3A_42 = arith.constant 0 : index
    %get3A_43 = arith.constant 64 : index
    %get3A_44 = vector.load %arg1[%get3A_41, %get3A_42, %get3A_43] : memref<2x1024x80xf32, #tpu.memory_space<vmem>>, vector<1x1024x4xf32>
    %get3A_45 = vector.shape_cast %get3A_44 : vector<1x1024x4xf32> to vector<1024x4xf32>
    %iota3A_46 = tpu.iota {dimensions = array<i32: 0>} : vector<4x64xi32>
    %iota3A_47 = tpu.iota {dimensions = array<i32: 1>} : vector<4x64xi32>
    %jit3A_48 = arith.constant 16 : i32
    %div3A_49 = vector.broadcast %jit3A_48 : i32 to vector<4x64xi32>
    %div3A_50 = arith.divsi %iota3A_47, %div3A_49 : vector<4x64xi32>
    %sign3A_51 = arith.constant 0 : i32
    %sign3A_52 = vector.broadcast %sign3A_51 : i32 to vector<4x64xi32>
    %sign3A_53 = arith.cmpi sgt, %iota3A_47, %sign3A_52 : vector<4x64xi32>
    %sign3A_54 = arith.extui %sign3A_53 : vector<4x64xi1> to vector<4x64xi32>
    %sign3A_55 = arith.constant 0 : i32
    %sign3A_56 = vector.broadcast %sign3A_55 : i32 to vector<4x64xi32>
    %sign3A_57 = arith.cmpi slt, %iota3A_47, %sign3A_56 : vector<4x64xi32>
    %sign3A_58 = arith.extui %sign3A_57 : vector<4x64xi1> to vector<4x64xi32>
    %sign3A_59 = arith.subi %sign3A_54, %sign3A_58 : vector<4x64xi32>
    %sign3A_60 = arith.constant 0 : i32
    %sign3A_61 = arith.cmpi sgt, %jit3A_48, %sign3A_60 : i32
    %sign3A_62 = arith.extui %sign3A_61 : i1 to i32
    %sign3A_63 = arith.constant 0 : i32
    %sign3A_64 = arith.cmpi slt, %jit3A_48, %sign3A_63 : i32
    %sign3A_65 = arith.extui %sign3A_64 : i1 to i32
    %sign3A_66 = arith.subi %sign3A_62, %sign3A_65 : i32
    %ne3A_67 = vector.broadcast %sign3A_66 : i32 to vector<4x64xi32>
    %ne3A_68 = arith.cmpi ne, %sign3A_59, %ne3A_67 : vector<4x64xi32>
    %rem3A_69 = vector.broadcast %jit3A_48 : i32 to vector<4x64xi32>
    %rem3A_70 = arith.remsi %iota3A_47, %rem3A_69 : vector<4x64xi32>
    %ne3A_71 = arith.constant 0 : i32
    %ne3A_72 = vector.broadcast %ne3A_71 : i32 to vector<4x64xi32>
    %ne3A_73 = arith.cmpi ne, %rem3A_70, %ne3A_72 : vector<4x64xi32>
    %and3A_74 = arith.andi %ne3A_68, %ne3A_73 : vector<4x64xi1>
    %sub3A_75 = arith.constant 1 : i32
    %sub3A_76 = vector.broadcast %sub3A_75 : i32 to vector<4x64xi32>
    %sub3A_77 = arith.subi %div3A_50, %sub3A_76 : vector<4x64xi32>
    %select_n3A_78 = arith.select %and3A_74, %sub3A_77, %div3A_50 : vector<4x64xi1>, vector<4x64xi32>
    %eq3A_79 = arith.cmpi eq, %select_n3A_78, %iota3A_46 : vector<4x64xi32>
    %convert_element_type3A_80 = arith.extui %eq3A_79 : vector<4x64xi1> to vector<4x64xi32>
    %convert_element_type3A_81 = arith.sitofp %convert_element_type3A_80 : vector<4x64xi32> to vector<4x64xf32>
    %dot_general3A_82 = arith.constant dense<0.000000e+00> : vector<1024x64xf32>
    %dot_general3A_83 = tpu.matmul %get3A_45, %convert_element_type3A_81, %dot_general3A_82 {dimension_numbers = #tpu.dot_dimension_numbers<[1], [0], [0], [1], [0, 0, 1, 1], [], []>, transpose_lhs_hint = false} : vector<1024x4xf32>, vector<4x64xf32>, vector<1024x64xf32> -> vector<1024x64xf32>
    %div3A_84 = arith.divf %get3A_40, %dot_general3A_83 : vector<1024x64xf32>
    %concatenate3A = tpu.concatenate %div3A_35, %div3A_84 in 1 : vector<1024x64xf32>, vector<1024x64xf32> -> vector<1024x128xf32>
    %get3A_85 = arith.constant 0 : index
    %get3A_86 = arith.constant 0 : index
    %get3A_87 = vector.load %arg3[%get3A_85, %get3A_86] : memref<1x128xf32, #tpu.memory_space<vmem>>, vector<1x128xf32>
    %add3A = vector.broadcast %get3A_87 : vector<1x128xf32> to vector<1024x128xf32>
    %add3A_88 = arith.addf %concatenate3A, %add3A : vector<1024x128xf32>
    %gt3A = arith.constant 0.000000e+00 : f32
    %gt3A_89 = vector.broadcast %gt3A : f32 to vector<1024x128xf32>
    %gt3A_90 = arith.cmpf ogt, %add3A_88, %gt3A_89 : vector<1024x128xf32>
    %min3A = arith.constant 0.000000e+00 : f32
    %min3A_91 = vector.broadcast %min3A : f32 to vector<1024x128xf32>
    %min3A_92 = arith.minimumf %add3A_88, %min3A_91 : vector<1024x128xf32>
    %exp3A = math.exp %min3A_92 : vector<1024x128xf32>
    %sub3A_93 = arith.constant 1.000000e+00 : f32
    %sub3A_94 = vector.broadcast %sub3A_93 : f32 to vector<1024x128xf32>
    %sub3A_95 = arith.subf %exp3A, %sub3A_94 : vector<1024x128xf32>
    %select_n3A_96 = arith.select %gt3A_90, %add3A_88, %sub3A_95 : vector<1024x128xi1>, vector<1024x128xf32>
    %get3A_97 = arith.constant 0 : index
    %get3A_98 = arith.constant 0 : index
    %get3A_99 = vector.load %arg2[%get3A_97, %get3A_98] : memref<128x128xf32, #tpu.memory_space<vmem>>, vector<128x128xf32>
    %dot_general3A_100 = arith.constant dense<0.000000e+00> : vector<1024x128xf32>
    %dot_general3A_101 = tpu.matmul %select_n3A_96, %get3A_99, %dot_general3A_100 {dimension_numbers = #tpu.dot_dimension_numbers<[1], [0], [0], [1], [0, 0, 1, 1], [], []>, transpose_lhs_hint = false} : vector<1024x128xf32>, vector<128x128xf32>, vector<1024x128xf32> -> vector<1024x128xf32>
    %get3A_102 = arith.constant 0 : index
    %get3A_103 = arith.constant 0 : index
    %get3A_104 = vector.load %arg4[%get3A_102, %get3A_103] : memref<1x128xf32, #tpu.memory_space<vmem>>, vector<1x128xf32>
    %mul3A = vector.broadcast %get3A_104 : vector<1x128xf32> to vector<1024x128xf32>
    %mul3A_105 = arith.mulf %dot_general3A_101, %mul3A : vector<1024x128xf32>
    %broadcast_in_dim3A = arith.constant 1.000000e+00 : f32
    %broadcast_in_dim3A_106 = vector.broadcast %broadcast_in_dim3A : f32 to vector<128x1xf32>
    %dot_general3A_107 = arith.constant dense<0.000000e+00> : vector<1024x1xf32>
    %dot_general3A_108 = tpu.matmul %mul3A_105, %broadcast_in_dim3A_106, %dot_general3A_107 {dimension_numbers = #tpu.dot_dimension_numbers<[1], [0], [0], [1], [0, 0, 1, 1], [], []>, transpose_lhs_hint = false} : vector<1024x128xf32>, vector<128x1xf32>, vector<1024x1xf32> -> vector<1024x1xf32>
    %get3A_109 = arith.constant 0 : index
    %get3A_110 = arith.constant 0 : index
    %get3A_111 = vector.load %arg5[%get3A_109, %get3A_110] : memref<1x128xf32, #tpu.memory_space<vmem>>, vector<1x128xf32>
    %mul3A_112 = vector.broadcast %get3A_111 : vector<1x128xf32> to vector<1024x128xf32>
    %mul3A_113 = arith.mulf %dot_general3A_101, %mul3A_112 : vector<1024x128xf32>
    %broadcast_in_dim3A_114 = arith.constant 1.000000e+00 : f32
    %broadcast_in_dim3A_115 = vector.broadcast %broadcast_in_dim3A_114 : f32 to vector<128x1xf32>
    %dot_general3A_116 = arith.constant dense<0.000000e+00> : vector<1024x1xf32>
    %dot_general3A_117 = tpu.matmul %mul3A_113, %broadcast_in_dim3A_115, %dot_general3A_116 {dimension_numbers = #tpu.dot_dimension_numbers<[1], [0], [0], [1], [0, 0, 1, 1], [], []>, transpose_lhs_hint = false} : vector<1024x128xf32>, vector<128x1xf32>, vector<1024x1xf32> -> vector<1024x1xf32>
    %mul3A_118 = arith.constant 1024 : i32
    %mul3A_119 = arith.muli %arg0, %mul3A_118 : i32
    %iota3A_120 = tpu.iota {dimensions = array<i32: 0>} : vector<1024x1xi32>
    %add3A_121 = vector.broadcast %mul3A_119 : i32 to vector<1024x1xi32>
    %add3A_122 = arith.addi %add3A_121, %iota3A_120 : vector<1024x1xi32>
    %lt3A = arith.constant 10000 : i32
    %lt3A_123 = vector.broadcast %lt3A : i32 to vector<1024x1xi32>
    %lt3A_124 = arith.cmpi slt, %add3A_122, %lt3A_123 : vector<1024x1xi32>
    %jit3A_125 = arith.constant -1.000000e+30 : f32
    %broadcast_in_dim3A_126 = vector.broadcast %jit3A_125 : f32 to vector<1024x1xf32>
    %select_n3A_127 = arith.select %lt3A_124, %dot_general3A_108, %broadcast_in_dim3A_126 : vector<1024x1xi1>, vector<1024x1xf32>
    %iota3A_128 = tpu.iota {dimensions = array<i32: 0>} : vector<1x16xi32>
    %iota3A_129 = tpu.iota {dimensions = array<i32: 1>} : vector<1x16xi32>
    %eq3A_130 = arith.cmpi eq, %iota3A_128, %iota3A_129 : vector<1x16xi32>
    %convert_element_type3A_131 = arith.extui %eq3A_130 : vector<1x16xi1> to vector<1x16xi32>
    %convert_element_type3A_132 = arith.sitofp %convert_element_type3A_131 : vector<1x16xi32> to vector<1x16xf32>
    %dot_general3A_133 = arith.constant dense<0.000000e+00> : vector<1024x16xf32>
    %dot_general3A_134 = tpu.matmul %select_n3A_127, %convert_element_type3A_132, %dot_general3A_133 {dimension_numbers = #tpu.dot_dimension_numbers<[1], [0], [0], [1], [0, 0, 1, 1], [], []>, transpose_lhs_hint = false} : vector<1024x1xf32>, vector<1x16xf32>, vector<1024x16xf32> -> vector<1024x16xf32>
    %swap3A = arith.constant 0 : index
    %swap3A_135 = arith.constant 0 : index
    %swap3A_136 = vector.load %arg7[%swap3A, %swap3A_135] : memref<1024x16xf32, #tpu.memory_space<vmem>>, vector<1024x16xf32>
    tpu.vector_store %arg7[%swap3A, %swap3A_135], %dot_general3A_134 {strides = array<i32>} : memref<1024x16xf32, #tpu.memory_space<vmem>>, vector<1024x16xf32>,
    %jit3A_137 = arith.constant 0.000000e+00 : f32
    %broadcast_in_dim3A_138 = vector.broadcast %jit3A_137 : f32 to vector<1024x1xf32>
    %select_n3A_139 = arith.select %lt3A_124, %dot_general3A_117, %broadcast_in_dim3A_138 : vector<1024x1xi1>, vector<1024x1xf32>
    %iota3A_140 = tpu.iota {dimensions = array<i32: 0>} : vector<1x16xi32>
    %iota3A_141 = tpu.iota {dimensions = array<i32: 1>} : vector<1x16xi32>
    %eq3A_142 = arith.cmpi eq, %iota3A_140, %iota3A_141 : vector<1x16xi32>
    %convert_element_type3A_143 = arith.extui %eq3A_142 : vector<1x16xi1> to vector<1x16xi32>
    %convert_element_type3A_144 = arith.sitofp %convert_element_type3A_143 : vector<1x16xi32> to vector<1x16xf32>
    %dot_general3A_145 = arith.constant dense<0.000000e+00> : vector<1024x16xf32>
    %dot_general3A_146 = tpu.matmul %select_n3A_139, %convert_element_type3A_144, %dot_general3A_145 {dimension_numbers = #tpu.dot_dimension_numbers<[1], [0], [0], [1], [0, 0, 1, 1], [], []>, transpose_lhs_hint = false} : vector<1024x1xf32>, vector<1x16xf32>, vector<1024x16xf32> -> vector<1024x16xf32>
    %swap3A_147 = arith.constant 0 : index
    %swap3A_148 = arith.constant 0 : index
    %swap3A_149 = vector.load %arg8[%swap3A_147, %swap3A_148] : memref<1024x16xf32, #tpu.memory_space<vmem>>, vector<1024x16xf32>
    tpu.vector_store %arg8[%swap3A_147, %swap3A_148], %dot_general3A_146 {strides = array<i32>} : memref<1024x16xf32, #tpu.memory_space<vmem>>, vector<1024x16xf32>,
    %add3A_150 = arith.addf %dot_general3A_108, %dot_general3A_117 : vector<1024x1xf32>
    %ge3A = arith.constant 0.000000e+00 : f32
    %ge3A_151 = vector.broadcast %ge3A : f32 to vector<1024x1xf32>
    %ge3A_152 = arith.cmpf oge, %add3A_150, %ge3A_151 : vector<1024x1xf32>
    %mul3A_153 = arith.constant 2.000000e-01 : f32
    %mul3A_154 = vector.broadcast %mul3A_153 : f32 to vector<1024x1xf32>
    %mul3A_155 = arith.mulf %add3A_150, %mul3A_154 : vector<1024x1xf32>
    %select_n3A_156 = arith.select %ge3A_152, %add3A_150, %mul3A_155 : vector<1024x1xi1>, vector<1024x1xf32>
    %exp3A_157 = math.exp %select_n3A_156 : vector<1024x1xf32>
    %jit3A_158 = arith.constant 1.000000e+00 : f32
    %broadcast_in_dim3A_159 = vector.broadcast %jit3A_158 : f32 to vector<1024x1xf32>
    %select_n3A_160 = arith.select %lt3A_124, %exp3A_157, %broadcast_in_dim3A_159 : vector<1024x1xi1>, vector<1024x1xf32>
    %slice3A = vector.extract_strided_slice %dot_general3A_101 {offsets = [0, 0], sizes = [1024, 64], strides = [1, 1]} : vector<1024x128xf32> to vector<1024x64xf32>
    %swap3A_161 = arith.constant 0 : index
    %swap3A_162 = arith.constant 0 : index
    %swap3A_163 = arith.constant 0 : index
    %swap3A_164 = vector.load %arg6[%swap3A_161, %swap3A_162, %swap3A_163] : memref<2x1024x64xf32, #tpu.memory_space<vmem>>, vector<1x1024x64xf32>
    %swap3A_165 = vector.shape_cast %swap3A_164 : vector<1x1024x64xf32> to vector<1024x64xf32>
    %swap3A_166 = vector.shape_cast %slice3A : vector<1024x64xf32> to vector<1x1024x64xf32>
    tpu.vector_store %arg6[%swap3A_161, %swap3A_162, %swap3A_163], %swap3A_166 {strides = array<i32>} : memref<2x1024x64xf32, #tpu.memory_space<vmem>>, vector<1x1024x64xf32>,
    %mul3A_167 = vector.broadcast %exp3A_157 : vector<1024x1xf32> to vector<1024x64xf32>
    %mul3A_168 = arith.mulf %slice3A, %mul3A_167 : vector<1024x64xf32>
    %swap3A_169 = arith.constant 0 : index
    %swap3A_170 = arith.constant 0 : index
    %swap3A_171 = arith.constant 0 : index
    %swap3A_172 = vector.load %arg9[%swap3A_169, %swap3A_170, %swap3A_171] : memref<2x1024x80xf32, #tpu.memory_space<vmem>>, vector<1x1024x64xf32>
    %swap3A_173 = vector.shape_cast %swap3A_172 : vector<1x1024x64xf32> to vector<1024x64xf32>
    %swap3A_174 = vector.shape_cast %mul3A_168 : vector<1024x64xf32> to vector<1x1024x64xf32>
    tpu.vector_store %arg9[%swap3A_169, %swap3A_170, %swap3A_171], %swap3A_174 {strides = array<i32>} : memref<2x1024x80xf32, #tpu.memory_space<vmem>>, vector<1x1024x64xf32>,
    %swap3A_175 = arith.constant 0 : index
    %swap3A_176 = arith.constant 0 : index
    %swap3A_177 = arith.constant 64 : index
    %swap3A_178 = vector.load %arg9[%swap3A_175, %swap3A_176, %swap3A_177] : memref<2x1024x80xf32, #tpu.memory_space<vmem>>, vector<1x1024x1xf32>
    %swap3A_179 = vector.shape_cast %swap3A_178 : vector<1x1024x1xf32> to vector<1024x1xf32>
    %swap3A_180 = vector.shape_cast %select_n3A_160 : vector<1024x1xf32> to vector<1x1024x1xf32>
    tpu.vector_store %arg9[%swap3A_175, %swap3A_176, %swap3A_177], %swap3A_180 {strides = array<i32>} : memref<2x1024x80xf32, #tpu.memory_space<vmem>>, vector<1x1024x1xf32>,
    %broadcast_in_dim3A_181 = arith.constant 0.000000e+00 : f32
    %broadcast_in_dim3A_182 = vector.broadcast %broadcast_in_dim3A_181 : f32 to vector<1024x15xf32>
    %swap3A_183 = arith.constant 0 : index
    %swap3A_184 = arith.constant 0 : index
    %swap3A_185 = arith.constant 65 : index
    %swap3A_186 = vector.load %arg9[%swap3A_183, %swap3A_184, %swap3A_185] : memref<2x1024x80xf32, #tpu.memory_space<vmem>>, vector<1x1024x15xf32>
    %swap3A_187 = vector.shape_cast %swap3A_186 : vector<1x1024x15xf32> to vector<1024x15xf32>
    %swap3A_188 = vector.shape_cast %broadcast_in_dim3A_182 : vector<1024x15xf32> to vector<1x1024x15xf32>
    tpu.vector_store %arg9[%swap3A_183, %swap3A_184, %swap3A_185], %swap3A_188 {strides = array<i32>} : memref<2x1024x80xf32, #tpu.memory_space<vmem>>, vector<1x1024x15xf32>,
    %slice3A_189 = vector.extract_strided_slice %dot_general3A_101 {offsets = [0, 64], sizes = [1024, 64], strides = [1, 1]} : vector<1024x128xf32> to vector<1024x64xf32>
    %swap3A_190 = arith.constant 1 : index
    %swap3A_191 = arith.constant 0 : index
    %swap3A_192 = arith.constant 0 : index
    %swap3A_193 = vector.load %arg6[%swap3A_190, %swap3A_191, %swap3A_192] : memref<2x1024x64xf32, #tpu.memory_space<vmem>>, vector<1x1024x64xf32>
    %swap3A_194 = vector.shape_cast %swap3A_193 : vector<1x1024x64xf32> to vector<1024x64xf32>
    %swap3A_195 = vector.shape_cast %slice3A_189 : vector<1024x64xf32> to vector<1x1024x64xf32>
    tpu.vector_store %arg6[%swap3A_190, %swap3A_191, %swap3A_192], %swap3A_195 {strides = array<i32>} : memref<2x1024x64xf32, #tpu.memory_space<vmem>>, vector<1x1024x64xf32>,
    %mul3A_196 = vector.broadcast %exp3A_157 : vector<1024x1xf32> to vector<1024x64xf32>
    %mul3A_197 = arith.mulf %slice3A_189, %mul3A_196 : vector<1024x64xf32>
    %swap3A_198 = arith.constant 1 : index
    %swap3A_199 = arith.constant 0 : index
    %swap3A_200 = arith.constant 0 : index
    %swap3A_201 = vector.load %arg9[%swap3A_198, %swap3A_199, %swap3A_200] : memref<2x1024x80xf32, #tpu.memory_space<vmem>>, vector<1x1024x64xf32>
    %swap3A_202 = vector.shape_cast %swap3A_201 : vector<1x1024x64xf32> to vector<1024x64xf32>
    %swap3A_203 = vector.shape_cast %mul3A_197 : vector<1024x64xf32> to vector<1x1024x64xf32>
    tpu.vector_store %arg9[%swap3A_198, %swap3A_199, %swap3A_200], %swap3A_203 {strides = array<i32>} : memref<2x1024x80xf32, #tpu.memory_space<vmem>>, vector<1x1024x64xf32>,
    %swap3A_204 = arith.constant 1 : index
    %swap3A_205 = arith.constant 0 : index
    %swap3A_206 = arith.constant 64 : index
    %swap3A_207 = vector.load %arg9[%swap3A_204, %swap3A_205, %swap3A_206] : memref<2x1024x80xf32, #tpu.memory_space<vmem>>, vector<1x1024x1xf32>
    %swap3A_208 = vector.shape_cast %swap3A_207 : vector<1x1024x1xf32> to vector<1024x1xf32>
    %swap3A_209 = vector.shape_cast %select_n3A_160 : vector<1024x1xf32> to vector<1x1024x1xf32>
    tpu.vector_store %arg9[%swap3A_204, %swap3A_205, %swap3A_206], %swap3A_209 {strides = array<i32>} : memref<2x1024x80xf32, #tpu.memory_space<vmem>>, vector<1x1024x1xf32>,
    %broadcast_in_dim3A_210 = arith.constant 0.000000e+00 : f32
    %broadcast_in_dim3A_211 = vector.broadcast %broadcast_in_dim3A_210 : f32 to vector<1024x15xf32>
    %swap3A_212 = arith.constant 1 : index
    %swap3A_213 = arith.constant 0 : index
    %swap3A_214 = arith.constant 65 : index
    %swap3A_215 = vector.load %arg9[%swap3A_212, %swap3A_213, %swap3A_214] : memref<2x1024x80xf32, #tpu.memory_space<vmem>>, vector<1x1024x15xf32>
    %swap3A_216 = vector.shape_cast %swap3A_215 : vector<1x1024x15xf32> to vector<1024x15xf32>
    %swap3A_217 = vector.shape_cast %broadcast_in_dim3A_211 : vector<1024x15xf32> to vector<1x1024x15xf32>
    tpu.vector_store %arg9[%swap3A_212, %swap3A_213, %swap3A_214], %swap3A_217 {strides = array<i32>} : memref<2x1024x80xf32, #tpu.memory_space<vmem>>, vector<1x1024x15xf32>,
    return
  }
  func.func @transform_0(%arg0: i32) -> (i32, i32, i32) {
    %c0_i32 = arith.constant 0 : i32
    %c0_i32_0 = arith.constant 0 : i32
    %c0_i32_1 = arith.constant 0 : i32
    return %c0_i32, %arg0, %c0_i32_0 : i32, i32, i32
  }
  func.func @transform_1(%arg0: i32) -> (i32, i32) {
    %c0_i32 = arith.constant 0 : i32
    %c0_i32_0 = arith.constant 0 : i32
    %c0_i32_1 = arith.constant 0 : i32
    return %c0_i32, %c0_i32_0 : i32, i32
  }
  func.func @transform_2(%arg0: i32) -> (i32, i32) {
    %c0_i32 = arith.constant 0 : i32
    %c0_i32_0 = arith.constant 0 : i32
    %c0_i32_1 = arith.constant 0 : i32
    return %c0_i32, %c0_i32_0 : i32, i32
  }
  func.func @transform_3(%arg0: i32) -> (i32, i32) {
    %c0_i32 = arith.constant 0 : i32
    %c0_i32_0 = arith.constant 0 : i32
    %c0_i32_1 = arith.constant 0 : i32
    return %c0_i32, %c0_i32_0 : i32, i32
  }
  func.func @transform_4(%arg0: i32) -> (i32, i32) {
    %c0_i32 = arith.constant 0 : i32
    %c0_i32_0 = arith.constant 0 : i32
    %c0_i32_1 = arith.constant 0 : i32
    return %c0_i32, %c0_i32_0 : i32, i32
  }
  func.func @transform_5(%arg0: i32) -> (i32, i32, i32) {
    %c0_i32 = arith.constant 0 : i32
    %c0_i32_0 = arith.constant 0 : i32
    %c0_i32_1 = arith.constant 0 : i32
    return %c0_i32, %arg0, %c0_i32_0 : i32, i32, i32
  }
  func.func @transform_6(%arg0: i32) -> (i32, i32) {
    %c0_i32 = arith.constant 0 : i32
    %c0_i32_0 = arith.constant 0 : i32
    return %arg0, %c0_i32 : i32, i32
  }
  func.func @transform_7(%arg0: i32) -> (i32, i32) {
    %c0_i32 = arith.constant 0 : i32
    %c0_i32_0 = arith.constant 0 : i32
    return %arg0, %c0_i32 : i32, i32
  }
  func.func @transform_8(%arg0: i32) -> (i32, i32, i32) {
    %c0_i32 = arith.constant 0 : i32
    %c0_i32_0 = arith.constant 0 : i32
    %c0_i32_1 = arith.constant 0 : i32
    return %c0_i32, %arg0, %c0_i32_0 : i32, i32, i32
  }
}

module attributes {stable_mosaic.version = 14 : i64} {
  func.func @_tc3_body(%arg0: i32, %arg1: memref<2x1024x80xf32, #tpu.memory_space<vmem>>, %arg2: memref<1x128xf32, #tpu.memory_space<vmem>>, %arg3: memref<1024x1xi32, #tpu.memory_space<vmem>>, %arg4: memref<64x128xf32, #tpu.memory_space<vmem>>) attributes {dimension_semantics = [#tpu.dimension_semantics<arbitrary>], iteration_bounds = array<i64: 10>, scalar_prefetch = 0 : i64, scratch_operands = 0 : i64, tpu.core_type = #tpu.core_type<tc>, window_params = [{transform_indices = @transform_0, window_bounds = array<i64: 2, 1024, 80>}, {pipeline_mode = #tpu.pipeline_mode<synchronous>, transform_indices = @transform_1, window_bounds = array<i64: 1, 128>}, {transform_indices = @transform_2, window_bounds = array<i64: 1024, 1>}, {pipeline_mode = #tpu.pipeline_mode<synchronous>, transform_indices = @transform_3, window_bounds = array<i64: 64, 128>}]} {
    %get3A = arith.constant 0 : index
    %get3A_0 = arith.constant 0 : index
    %get3A_1 = arith.constant 0 : index
    %get3A_2 = vector.load %arg1[%get3A, %get3A_0, %get3A_1] : memref<2x1024x80xf32, #tpu.memory_space<vmem>>, vector<1x1024x64xf32>
    %get3A_3 = vector.shape_cast %get3A_2 : vector<1x1024x64xf32> to vector<1024x64xf32>
    %get3A_4 = arith.constant 0 : index
    %get3A_5 = arith.constant 0 : index
    %get3A_6 = arith.constant 64 : index
    %get3A_7 = vector.load %arg1[%get3A_4, %get3A_5, %get3A_6] : memref<2x1024x80xf32, #tpu.memory_space<vmem>>, vector<1x1024x1xf32>
    %get3A_8 = vector.shape_cast %get3A_7 : vector<1x1024x1xf32> to vector<1024x1xf32>
    %div3A = vector.broadcast %get3A_8 : vector<1024x1xf32> to vector<1024x64xf32>
    %div3A_9 = arith.divf %get3A_3, %div3A : vector<1024x64xf32>
    %get3A_10 = arith.constant 1 : index
    %get3A_11 = arith.constant 0 : index
    %get3A_12 = arith.constant 0 : index
    %get3A_13 = vector.load %arg1[%get3A_10, %get3A_11, %get3A_12] : memref<2x1024x80xf32, #tpu.memory_space<vmem>>, vector<1x1024x64xf32>
    %get3A_14 = vector.shape_cast %get3A_13 : vector<1x1024x64xf32> to vector<1024x64xf32>
    %get3A_15 = arith.constant 1 : index
    %get3A_16 = arith.constant 0 : index
    %get3A_17 = arith.constant 64 : index
    %get3A_18 = vector.load %arg1[%get3A_15, %get3A_16, %get3A_17] : memref<2x1024x80xf32, #tpu.memory_space<vmem>>, vector<1x1024x1xf32>
    %get3A_19 = vector.shape_cast %get3A_18 : vector<1x1024x1xf32> to vector<1024x1xf32>
    %div3A_20 = vector.broadcast %get3A_19 : vector<1024x1xf32> to vector<1024x64xf32>
    %div3A_21 = arith.divf %get3A_14, %div3A_20 : vector<1024x64xf32>
    %concatenate3A = tpu.concatenate %div3A_9, %div3A_21 in 1 : vector<1024x64xf32>, vector<1024x64xf32> -> vector<1024x128xf32>
    %get3A_22 = arith.constant 0 : index
    %get3A_23 = arith.constant 0 : index
    %get3A_24 = vector.load %arg2[%get3A_22, %get3A_23] : memref<1x128xf32, #tpu.memory_space<vmem>>, vector<1x128xf32>
    %add3A = vector.broadcast %get3A_24 : vector<1x128xf32> to vector<1024x128xf32>
    %add3A_25 = arith.addf %concatenate3A, %add3A : vector<1024x128xf32>
    %get3A_26 = arith.constant 0 : index
    %get3A_27 = arith.constant 0 : index
    %get3A_28 = vector.load %arg3[%get3A_26, %get3A_27] : memref<1024x1xi32, #tpu.memory_space<vmem>>, vector<1024x1xi32>
    %iota3A = tpu.iota {dimensions = array<i32: 1>} : vector<1024x64xi32>
    %eq3A = vector.broadcast %get3A_28 : vector<1024x1xi32> to vector<1024x64xi32>
    %eq3A_29 = arith.cmpi eq, %eq3A, %iota3A : vector<1024x64xi32>
    %convert_element_type3A = arith.extui %eq3A_29 : vector<1024x64xi1> to vector<1024x64xi32>
    %convert_element_type3A_30 = arith.sitofp %convert_element_type3A : vector<1024x64xi32> to vector<1024x64xf32>
    %dot_general3A = arith.constant dense<0.000000e+00> : vector<64x128xf32>
    %dot_general3A_31 = tpu.matmul %convert_element_type3A_30, %add3A_25, %dot_general3A {dimension_numbers = #tpu.dot_dimension_numbers<[0], [0], [1], [1], [0, 1, 1, 1], [], []>, transpose_lhs_hint = false} : vector<1024x64xf32>, vector<1024x128xf32>, vector<64x128xf32> -> vector<64x128xf32>
    %eq3A_32 = arith.constant 0 : i32
    %eq3A_33 = arith.cmpi eq, %arg0, %eq3A_32 : i32
    %convert_element_type3A_34 = arith.extui %eq3A_33 : i1 to i32
    %cond3A = arith.constant 0 : i32
    %cond3A_35 = arith.cmpi ne, %convert_element_type3A_34, %cond3A : i32
    scf.if %cond3A_35 {
      %swap3A = arith.constant 0 : index
      %swap3A_40 = arith.constant 0 : index
      %swap3A_41 = vector.load %arg4[%swap3A, %swap3A_40] : memref<64x128xf32, #tpu.memory_space<vmem>>, vector<64x128xf32>
      tpu.vector_store %arg4[%swap3A, %swap3A_40], %dot_general3A_31 {strides = array<i32>} : memref<64x128xf32, #tpu.memory_space<vmem>>, vector<64x128xf32>,
    } else {
    }
    %gt3A = arith.constant 0 : i32
    %gt3A_36 = arith.cmpi sgt, %arg0, %gt3A : i32
    %convert_element_type3A_37 = arith.extui %gt3A_36 : i1 to i32
    %cond3A_38 = arith.constant 0 : i32
    %cond3A_39 = arith.cmpi ne, %convert_element_type3A_37, %cond3A_38 : i32
    scf.if %cond3A_39 {
      %get3A_40 = arith.constant 0 : index
      %get3A_41 = arith.constant 0 : index
      %get3A_42 = vector.load %arg4[%get3A_40, %get3A_41] : memref<64x128xf32, #tpu.memory_space<vmem>>, vector<64x128xf32>
      %add3A_43 = arith.addf %get3A_42, %dot_general3A_31 : vector<64x128xf32>
      %swap3A = arith.constant 0 : index
      %swap3A_44 = arith.constant 0 : index
      %swap3A_45 = vector.load %arg4[%swap3A, %swap3A_44] : memref<64x128xf32, #tpu.memory_space<vmem>>, vector<64x128xf32>
      tpu.vector_store %arg4[%swap3A, %swap3A_44], %add3A_43 {strides = array<i32>} : memref<64x128xf32, #tpu.memory_space<vmem>>, vector<64x128xf32>,
    } else {
    }
    return
  }
  func.func @transform_0(%arg0: i32) -> (i32, i32, i32) {
    %c0_i32 = arith.constant 0 : i32
    %c0_i32_0 = arith.constant 0 : i32
    %c0_i32_1 = arith.constant 0 : i32
    return %c0_i32, %arg0, %c0_i32_0 : i32, i32, i32
  }
  func.func @transform_1(%arg0: i32) -> (i32, i32) {
    %c0_i32 = arith.constant 0 : i32
    %c0_i32_0 = arith.constant 0 : i32
    %c0_i32_1 = arith.constant 0 : i32
    return %c0_i32, %c0_i32_0 : i32, i32
  }
  func.func @transform_2(%arg0: i32) -> (i32, i32) {
    %c0_i32 = arith.constant 0 : i32
    %c0_i32_0 = arith.constant 0 : i32
    return %arg0, %c0_i32 : i32, i32
  }
  func.func @transform_3(%arg0: i32) -> (i32, i32) {
    %c0_i32 = arith.constant 0 : i32
    %c0_i32_0 = arith.constant 0 : i32
    %c0_i32_1 = arith.constant 0 : i32
    return %c0_i32, %c0_i32_0 : i32, i32
  }
}

</mosaic_0001>

<sc_bundles>
// kernel: kernel.10.cloned.1.call-start
scs
__scs_entry_jumppad:
0x0: {  	(pc) =	sbr.rel $0x88, $3  }
0x1: {  	(tag) =	ssettag $0x0;
	lr =	simm.s32 $0x1  }
0x2: {  	[smem:$0x3F96] =	sst lr;
	_ =	strace $0xD0000000  }
0x3: {  	_ = 	snop  }
0x4: {  	_ = 	snop  }
0x5: {  	_ = 	snop  }
0x6: {  	_ = 	snop  }
0x7: {  	_ = 	snop  }
__scs_overlays_trampoline_lowered:
0x8: {  	[smem:$0x3FA5] =	sst s0  }
0x9: {  	[smem:$0x3FA6] =	sst s1  }
0xa: {  	[smem:$0x3FA7] =	sst s2  }
0xb: {  	[smem:$0x3FA8] =	sst s3  }
0xc: {  	[smem:$0x3FA9] =	sst s4  }
0xd: {  	[smem:$0x3FAA] =	sst s5  }
0xe: {  	[smem:$0x3FAB] =	sst s6  }
0xf: {  	[smem:$0x3FAC] =	sst s7  }
0x10: {  	[smem:$0x3FAD] =	sst s8  }
0x11: {  	[smem:$0x3FAE] =	sst s9;
	s0 =	simm.s32 @!p0 $0x0  }
0x12: {  	s1 =	sld [smem:$0x3F94];
	s0 =	simm.s32 @p0 $0x1  }
0x13: {  	[smem:$0x3FAF] =	sst s0;
	s0 =	simm.s32 @!p1 $0x0  }
0x14: {  	s2 =	sld [smem:$0x3F93];
	s0 =	simm.s32 @p1 $0x1  }
0x15: {  	[smem:$0x3FB0] =	sst s0;
	s0 =	simm.s32 @!p2 $0x0  }
0x16: {  	s3 =	sld [smem:$0x3FDB];
	s0 =	simm.s32 @p2 $0x1  }
0x17: {  	s4 =	simm.s32 $0x1BF5;
	[smem:$0x3FB2] =	sst s0  }
0x18: {  	s0 =	sld [smem:$0x3F95];
	_ =	swait.ge [sflag:s4], $0x0  }
0x19: {  	s7 =	sld [smem:$0x3F96]  }
0x1a: {  	s8 =	sadd.s32 $0xFFFFE003, lr  }
0x1b: {  	s9 =	sadd.s32 $0xFFFFFEF7, lr;
	s5 =	simm.s32 $0xFFFFFFFF;
	p2 =	slt.u32 s8, $0xFFFFF086  }
0x1c: {  	p1 =	slt.u32 s9, $0xF7A;
	s5 =	simm.s32 @!p2 $0x0  }
0x1d: {  	s5 =	simm.s32 @p1 $0x1;
	p0 =	seq.s32 s7, s2  }
0x1e: {  	s7 =	smul.u32 @!p0 $0xF7A, s2;
	p2 =	seq.s32 @!p0 s5, $0x0  }
0x1f: {  	s9 =	smul.u32 $0xF7A, s1;
	s8 =	simm.s32 @!p0 $0x1BF5;
	p2 =	por !p2, p0  }
0x20: {  	[sflag:s8] =	ssyncset.s32 @!p0 $0xFFFFF086;
	s6 =	sadd.s32 @!p0 s3, s7;
	s7 =	simm.s32 @!p0 $0x108  }
0x21: {  	s3 =	sadd.s32 s3, s9;
	s6 =	sadd.s32 @!p0 $0x88, s6;
	s7 =	simm.s32 @p2 $0x1082  }
0x22: {  	[simem:s7], [sflag:s8] =	dma.local @!p0 [hbm:s6], $0xF7A  }
0x23: {  	s9 =	sor.u32 $0xD0000000, s2;
	s6 =	simm.s32 $0x108;
	_ =	swait.ge @!p0 [sflag:s8], $0x0  }
0x24: {  	s3 =	sadd.s32 $0x88, s3;
	s6 =	simm.s32 @!p1 $0x1082;
	[sflag:s4] =	ssyncset.s32 $0xFFFFF086  }
0x25: {  	[simem:s6], [sflag:s4] =	dma.local [hbm:s3], $0xF7A  }
0x26: {  	[smem:$0x3F96] =	sst s1;
	(tag) =	ssettag s2;
	_ =	strace s9  }
0x27: {  	s1 =	sld [smem:$0x3FA6]  }
0x28: {  	s2 =	sld [smem:$0x3FA7]  }
0x29: {  	s4 =	sld [smem:$0x3FA9]  }
0x2a: {  	p0 =	seq.s32 s5, $0x0;
	s5 =	sld [smem:$0x3FAA]  }
0x2b: {  	s6 =	sld [smem:$0x3FAB]  }
0x2c: {  	s7 =	sld [smem:$0x3FAC]  }
0x2d: {  	s3 =	simm.s32 $0x108;
	s8 =	sld [smem:$0x3FAD]  }
0x2e: {  	s3 =	simm.s32 @!p0 $0x1082;
	s9 =	sld [smem:$0x3FAE]  }
0x2f: {  	lr =	sadd.s32 s0, s3;
	s0 =	sld [smem:$0x3FA5]  }
0x30: {  	s3 =	sld [smem:$0x3FA8]  }
0x31: {  	[smem:$0x3FB1] =	sst s10  }
0x32: {  	s10 =	sld [smem:$0x3FAF];
	_ =	sdelay $0x3  }
0x33: {  	p0 =	seq.s32 s10, $0x1;
	s10 =	sld [smem:$0x3FB1];
	_ =	sdelay $0x3  }
0x34: {  	[smem:$0x3FB1] =	sst s10  }
0x35: {  	s10 =	sld [smem:$0x3FB0];
	_ =	sdelay $0x3  }
0x36: {  	p1 =	seq.s32 s10, $0x1;
	s10 =	sld [smem:$0x3FB1];
	_ =	sdelay $0x3  }
0x37: {  	[smem:$0x3FB1] =	sst s10  }
0x38: {  	s10 =	sld [smem:$0x3FB2]  }
0x39: {  	_ = 	snop;
	(pc) =	sbr.ind lr, $3  }
0x3a: {  	_ = 	snop  }
0x3b: {  	_ = 	snop  }
0x3c: {  	p2 =	seq.s32 s10, $0x1;
	s10 =	sld [smem:$0x3FB1]  }
0x3d: {  	_ =	shalt  }
0x3e: {  	_ =	shalt  }
0x3f: {  	_ =	shalt  }
0x40: {  	_ =	shalt  }
0x41: {  	_ =	shalt  }
0x42: {  	_ =	shalt  }
0x43: {  	_ =	shalt  }
0x44: {  	_ =	shalt  }
0x45: {  	_ =	shalt  }
0x46: {  	_ =	shalt  }
0x47: {  	_ =	shalt  }
0x48: {  	_ =	shalt  }
0x49: {  	_ =	shalt  }
0x4a: {  	_ =	shalt  }
0x4b: {  	_ =	shalt  }
0x4c: {  	_ =	shalt  }
0x4d: {  	_ =	shalt  }
0x4e: {  	_ =	shalt  }
0x4f: {  	_ =	shalt  }
0x50: {  	_ =	shalt  }
0x51: {  	_ =	shalt  }
0x52: {  	_ =	shalt  }
0x53: {  	_ =	shalt  }
0x54: {  	_ =	shalt  }
0x55: {  	_ =	shalt  }
0x56: {  	_ =	shalt  }
0x57: {  	_ =	shalt  }
0x58: {  	_ =	shalt  }
0x59: {  	_ =	shalt  }
0x5a: {  	_ =	shalt  }
0x5b: {  	_ =	shalt  }
0x5c: {  	_ =	shalt  }
0x5d: {  	_ =	shalt  }
0x5e: {  	_ =	shalt  }
0x5f: {  	_ =	shalt  }
0x60: {  	_ =	shalt  }
0x61: {  	_ =	shalt  }
0x62: {  	_ =	shalt  }
0x63: {  	_ =	shalt  }
0x64: {  	_ =	shalt  }
0x65: {  	_ =	shalt  }
0x66: {  	_ =	shalt  }
0x67: {  	_ =	shalt  }
0x68: {  	_ =	shalt  }
0x69: {  	_ =	shalt  }
0x6a: {  	_ =	shalt  }
0x6b: {  	_ =	shalt  }
0x6c: {  	_ =	shalt  }
0x6d: {  	_ =	shalt  }
0x6e: {  	_ =	shalt  }
0x6f: {  	_ =	shalt  }
0x70: {  	_ =	shalt  }
0x71: {  	_ =	shalt  }
0x72: {  	_ =	shalt  }
0x73: {  	_ =	shalt  }
0x74: {  	_ =	shalt  }
0x75: {  	_ =	shalt  }
0x76: {  	_ =	shalt  }
0x77: {  	_ =	shalt  }
0x78: {  	_ =	shalt  }
0x79: {  	_ =	shalt  }
0x7a: {  	_ =	shalt  }
0x7b: {  	_ =	shalt  }
0x7c: {  	_ =	shalt  }
0x7d: {  	_ =	shalt  }
0x7e: {  	_ =	shalt  }
0x7f: {  	_ =	shalt  }
0x80: {  	_ =	shalt  }
0x81: {  	_ =	shalt  }
0x82: {  	_ =	shalt  }
0x83: {  	_ =	shalt  }
0x84: {  	_ =	shalt  }
0x85: {  	_ =	shalt  }
0x86: {  	_ =	shalt  }
0x87: {  	_ =	shalt  }
.Lfunc_end0:
.L_simem_size_0:
called_computation.1_lowered:
.L_overlay_start_0:
0x88: {  	s2 =	sld [smem:$0x3FD9]  }
0x89: {  	s3 =	sld [smem:$0x3FFE];
	_ =	sdelay $0x1  }
0x8a: {  	s1 =	srdreg.scid  }
0x8b: {  	s0 =	sand.u32 $0x1, s1  }
0x8c: {  	s16 =	sshll.u32 s0, $0xA;
	s2 =	sadd.s32 s3, s2  }
0x8d: {  	s2 =	sadd.s32 s2, s16  }
0x8e: {  	[smem:$0x3FBD] =	sst s2  }
0x8f: {  	_ = 	snop  }
0x90: {  	(tm) =	ssettm $0x1  }
0x91: {  	s17 =	sld [smem:$0x3FFB];
	_ =	sdelay $0x3  }
0x92: {  	_ =	strace s17  }
0x93: {  	s2 =	sld [smem:$0x3FFC];
	_ =	sdelay $0x3  }
0x94: {  	_ =	strace s2  }
0x95: {  	s2 =	sld [smem:$0x3FFD];
	_ =	sdelay $0x3  }
0x96: {  	_ =	strace s2  }
0x97: {  	_ =	strace $0x8FFFFFFF  }
0x98: {  	s18 =	sld [smem:$0x3FDB];
	_ =	sdelay $0x1  }
0x99: {  	s19 =	simm.s32 $_scs_section_size  }
0x9a: {  	s4 =	simm.s32 $_size__tile_overlayer_lowered;
	s5 =	simm.s32 $_tile_overlayer_lowered  }
0x9b: {  	s22 =	simm.s32 $0x1BFF;
	s21 =	sshll.u32 s5, $0x1;
	s2 =	sadd.s32 s19, s18  }
0x9c: {  	s6 =	simm.s32 $0x0;
	s20 =	sshll.u32 s4, $0x1;
	s4 =	sadd.s32 s21, s2  }
0x9d: {  	[timem:s6], [sflag:s22] =	dma.local [hbm:s4], s20  }
0x9e: {  	_ =	swait.ge [sflag:s22], s20  }
0x9f: {  	s3 =	ssub.s32 $0x0, s20;
	[sflag:s22] =	ssyncset.done $0x0  }
0xa0: {  	[sflag:s22] =	ssyncadd.s32 s3;
	_ =	sdelay $0x1  }
0xa1: {  	s23 =	simm.s32 $0x1B8B  }
0xa2: {  	_ =	swait.ge [sflag:s23], $0x1  }
0xa3: {  	[sflag:s23] =	ssyncset.done $0x0  }
0xa4: {  	s25 =	simm.s32 $0x1B8E;
	s24 =	sld [smem:$0x3FFE];
	[sflag:s23] =	ssyncadd.s32 $0xFFFFFFFF  }
0xa5: {  	s26 =	simm.s32 $execute0_lowered;
	[smem:$0x3FD2] =	sst s25  }
0xa6: {  	s4 =	sshll.u32 s26, $0x1;
	_ =	strace $0x80000049;
	[dreg:$0x1] =	wrdreg $0xFFFFFFFF  }
0xa7: {  	s28 =	simm.s32 $_size_execute0_lowered;
	s2 =	sadd.s32 s2, s4;
	[dreg:$0x0] =	wrdreg $0x0  }
0xa8: {  	s4 =	sshll.u32 s28, $0x1;
	[dreg:$0x2] =	wrdreg s2  }
0xa9: {  	[dreg:$0x3] =	wrdreg s4  }
0xaa: {  	[dreg:$0x4] =	wrdreg $0xC0  }
0xab: {  	_ =	task [dreg:s6], $0x5FFFF  }
0xac: {  	[dreg:$0x1] =	wrdreg $0xFFFFFFFF  }
0xad: {  	[dreg:$0x0] =	wrdreg $0x60  }
0xae: {  	[dreg:$0x2] =	wrdreg s24  }
0xaf: {  	[dreg:$0x3] =	wrdreg $0x59800  }
0xb0: {  	[dreg:$0x4] =	wrdreg $0x9  }
0xb1: {  	_ =	task.clear_ibuf [dreg:s6], $0x5FFFF;
	_ =	strace $0x90000049  }
0xb2: {  	s29 =	simm.s32 $0x9;
	_ =	strace $0x8000004B  }
0xb3: {  	_ =	swait.ge [sflag:s29], $0x1  }
0xb4: {  	[sflag:s29] =	ssyncadd.s32 $0xFFFFFFFF  }
0xb5: {  	_ =	strace $0x9000004B  }
0xb6: {  	_ =	sfence  }
0xb7: {  	s30 =	sld [smem:$0x0];
	_ =	sdelay $0x2  }
0xb8: {  	s31 =	sshll.u32 s1, $0xD;
	s1 =	sshrl.u32 s1, $0x2  }
0xb9: {  	s3 =	sand.u32 $0x4000, s31;
	s1 =	sadd.s32 s1, s30  }
0xba: {  	s0 =	sor.u32 s3, s0;
	s1 =	sshll.u32 s1, $0x11  }
0xbb: {  	s0 =	sor.u32 s1, s0  }
0xbc: {  	s0 =	sadd.s32 $0x8F2B, s0  }
0xbd: {  	[sflag:s0] =	ssyncadd.remote.s32 $0x1  }
0xbe: {  	_ =	sfence.sel $0xFFFF  }
0xbf: {  	[dreg:$0x0] =	wrdreg $0xFFFFFFFF;
	(pc) =	sbr.abs _section_cstart, $3  }
0xc0: {  	[dreg:$0x1] =	wrdreg $0xFFFFFFFF  }
0xc1: {  	_ =	task.clear_ibuf [dreg:s6], $0x2FFFF;
	_ =	strace $0x9FFFFFFF  }
0xc2: {  	(tm) =	ssettm $0x7FFFFFFF  }
0xc3: {  	_ =	shalt  }
tec
execute0_lowered:
.L_overlay_start_1:
0x0: {  	(tag) =	ssettag $0x1  }
0x1: {  	s9 =	rddreg [dreg:$0x0]  }
0x2: {  	s0 =	srdreg.scid;
	s2 =	rddreg [dreg:$0x1]  }
0x3: {  	s1 =	stileid.u32;
	s3 =	simm.s32 $0x0;
	s16 =	simm.s32 $0x80  }
0x4: {  	s17 =	simm.s32 $0x180;
	s18 =	simm.s32 $0x980;
	s20 =	simm.s32 $0x1180  }
0x5: {  	s7 =	sand.u32 $0x1, s0;
	s0 =	rddreg [dreg:$0x2];
	s4 =	smul.u32 $0x280, s1  }
0x6: {  	s21 =	simm.s32 $0x3180;
	[smem:$0x7FF] =	sst s3;
	s12 =	smul.u32 $0x32000, s1  }
0x7: {  	s5 =	sadd.s32 $0x33800, s9;
	s8 =	sadd.s32 $0x47400, s9;
	s19 =	smul.u32 $0x2800, s7  }
0x8: {  	s31 =	sshll.u32 s1, $0x6;
	_ =	strace $0x8000004A;
	s11 =	ssub.s32 $0x2, s7  }
0x9: {  	s7 =	sadd.s32 $0x6F400, s9;
	s13 =	sshrl.u32 s11, $0x1;
	s6 =	sadd.s32 s4, s19  }
0xa: {  	s30 =	sshrl.u32 s12, $0x2;
	s4 =	sadd.s32 $0x3D600, s9;
	s10 =	smul.u32 $0xA, s6  }
0xb: {  	s13 =	ssub.s32 s11, s13;
	s15 =	sadd.s32 s30, s2;
	s11 =	smul.u32 $0x4E80, s1  }
0xc: {  	v0 =	vmov s19;
	s19 =	simm.s32 $0x100;
	s6 =	sadd.s32 $0x74400, s9;
	s14 =	sadd.s32 s10, s9  }
0xd: {  	s13 =	smax.u32 s13, $0x1;
	s10 =	sor.u32 $0x1C01, s31;
	s9 =	sadd.s32 $0x1800, s14  }
0xe: {  	v1 =	vimm.s32 $0x0;
	vm0 =	vmmov $0x1;
	s12 =	sadd.s32 $0x79400, s14;
	s14 =	sshrl.u32 s15, $0x3;
	s15 =	simm.s32 $0x1  }
.LBB2_1:
0xf: {  	[spmem:s14], [sflag:s10] =	dma.local [hbm:s9], $0x1900  }
0x10: {  	_ =	swait.ge [sflag:s15], $0x1900  }
0x11: {  	[sflag:s15] =	ssyncset.done $0x0  }
0x12: {  	[sflag:s15] =	ssyncadd.s32 $0xFFFFE700  }
0x13: {  	s22 =	simm.s32 $0x0;
	[bflag:$0x0] =	sbarrier.arrive $0xFFFF  }
.LBB2_2:
0x14: {  	s23 =	sshll.u32 s22, $0x7  }
0x15: {  	s23 =	sadd.s32 s11, s23  }
0x16: {  	s23 =	sshrl.u32 s23, $0x3  }
0x17: {  	s25 =	simm.s32 $0x0;
	s24 =	sadd.s32 s4, s23  }
0x18: {  	[tilespmem:s25], [sflag:$0x1] =	stream.linear.gather [hbm4b:s24+s25], $0x80, $0x38;
	[tilespmem:$0x12180] =	vst v63  }
0x19: {  	_ =	swait.ge [sflag:s15], $0x80  }
0x1a: {  	[sflag:s15] =	ssyncset.done $0x0  }
0x1b: {  	s23 =	sadd.s32 s5, s23;
	[sflag:s15] =	ssyncadd.s32 $0xFFFFFF80  }
0x1c: {  	[tilespmem:s16], [sflag:$0x1] =	stream.linear.gather [hbm4b:s23+s25], $0x80, $0x38;
	[tilespmem:$0x12180] =	vst v63  }
0x1d: {  	_ =	swait.ge [sflag:s15], $0x80  }
0x1e: {  	[sflag:s15] =	ssyncset.done $0x0  }
0x1f: {  	[sflag:s15] =	ssyncadd.s32 $0xFFFFFF80  }
0x20: {  	v2 =	vld [tilespmem:$0x0]  }
0x21: {  	v3 =	vld [tilespmem:$0x10]  }
0x22: {  	v4 =	vld [tilespmem:$0x20]  }
0x23: {  	v5 =	vld [tilespmem:$0x30]  }
0x24: {  	v6 =	vld [tilespmem:$0x40]  }
0x25: {  	v7 =	vld [tilespmem:$0x50];
	v2 =	vadd.s32 v0, v2  }
0x26: {  	[tilespmem:$0x100] =	vst v2;
	v2 =	vadd.s32 v0, v3;
	v3 =	vld [tilespmem:$0x60]  }
0x27: {  	v62 =	vld [tilespmem:$0x70];
	[tilespmem:$0x110] =	vst v2;
	v2 =	vadd.s32 v0, v4  }
0x28: {  	[tilespmem:$0x120] =	vst v2;
	v2 =	vadd.s32 v0, v5  }
0x29: {  	[tilespmem:$0x130] =	vst v2;
	v2 =	vadd.s32 v0, v6  }
0x2a: {  	[tilespmem:$0x140] =	vst v2;
	v2 =	vadd.s32 v0, v7  }
0x2b: {  	[tilespmem:$0x150] =	vst v2;
	v2 =	vadd.s32 v0, v3  }
0x2c: {  	[tilespmem:$0x160] =	vst v2;
	v2 =	vadd.s32 v0, v62  }
0x2d: {  	[tilespmem:$0x170] =	vst v2  }
0x2e: {  	[tilespmem:s17], [sflag:$0x1] =	stream.indirect.gather [hbm4b:s6+s16], $0x10, s25, s16, $0xb8;
	[tilespmem:$0x12180] =	vst v63  }
0x2f: {  	_ =	swait.ge [sflag:s15], $0x800  }
0x30: {  	[sflag:s15] =	ssyncset.done $0x0  }
0x31: {  	[sflag:s15] =	ssyncadd.s32 $0xFFFFF800  }
0x32: {  	[tilespmem:s18], [sflag:$0x1] =	stream.indirect.gather [hbm4b:s7+s16], $0x10, s16, s16, $0xb8;
	[tilespmem:$0x12180] =	vst v63  }
0x33: {  	_ =	swait.ge [sflag:s15], $0x800  }
0x34: {  	[sflag:s15] =	ssyncset.done $0x0  }
0x35: {  	[sflag:s15] =	ssyncadd.s32 $0xFFFFF800  }
0x36: {  	[tilespmem:s20], [sflag:$0x1] =	stream.indirect.gather [hbm4b:s8+s16], $0x40, s19, s16, $0xb8;
	[tilespmem:$0x12180] =	vst v63  }
0x37: {  	_ =	swait.ge [sflag:s15], $0x2000  }
0x38: {  	[sflag:s15] =	ssyncset.done $0x0  }
0x39: {  	s31 =	simm.s32 $0x0;
	[sflag:s15] =	ssyncadd.s32 $0xFFFFE000  }
0x3a: {  	v2 =	vld [tilespmem:s31+$0x980]  }
0x3b: {  	v3 =	vld [tilespmem:s31+$0x180];
	_ =	sdelay $0x4  }
0x3c: {  	v2 =	vadd.f32 v2, v3;
	_ =	sdelay $0x1  }
0x3d: {  	v3 =	vmul.f32 $2.000000030e-01, v2  }
0x3e: {  	vm1 =	vge.f32 v2, $0.0e+00  }
0x3f: {  	v2 =	vsel vm1, v2, v3  }
0x40: {  	v2 =	vmul.f32 $1.442695020e+00, v2;
	_ =	sdelay $0x1  }
0x41: {  	(erf) = vpow2.f32 v2;
	_ =	sdelay $0x5  }
0x42: {  	s23 =	simm.s32 $0x11A0  }
0x43: {  	v2 =	vld [tilespmem:s23+$0xFFFFFFE0];
	_ =	sdelay $0x1  }
0x44: {  	v3 =	vpop (erf)  }
0x45: {  	v3 =	vperm.xlane v3, v1;
	_ =	sdelay $0x1  }
0x46: {  	v2 =	vmul.f32 v2, v3  }
0x47: {  	s24 =	simm.s32 $0x31A0  }
0x48: {  	[tilespmem:s24+$0xFFFFFFE0] =	vst v2  }
0x49: {  	v2 =	vld [tilespmem:s23+$0xFFFFFFF0];
	_ =	sdelay $0x4  }
0x4a: {  	v2 =	vmul.f32 v2, v3;
	_ =	sdelay $0x1  }
0x4b: {  	[tilespmem:s24+$0xFFFFFFF0] =	vst v2  }
0x4c: {  	v2 =	vld [tilespmem:s23+$0x0];
	_ =	sdelay $0x4  }
0x4d: {  	v2 =	vmul.f32 v2, v3;
	_ =	sdelay $0x1  }
0x4e: {  	[tilespmem:s24+$0x0] =	vst v2  }
0x4f: {  	v2 =	vld [tilespmem:s23+$0x10];
	_ =	sdelay $0x4  }
0x50: {  	v63 =	vnsel vm0, $0x0, v3;
	v2 =	vmul.f32 v2, v3  }
0x51: {  	[tilespmem:s24+$0x20] =	vst v63  }
0x52: {  	s26 =	simm.s32 $0x10;
	[tilespmem:s24+$0x10] =	vst v2  }
0x53: {  	s25 =	simm.s32 $0x80;
	v2 =	vld [tilespmem:s26+$0x980]  }
.LBB2_3:
0x54: {  	p0 =	sne.s32 s25, $0x1FC0;
	v3 =	vld [tilespmem:s26+$0x180];
	_ =	sdelay $0x4  }
0x55: {  	v2 =	vadd.f32 v2, v3;
	_ =	sdelay $0x1  }
0x56: {  	v3 =	vmul.f32 $2.000000030e-01, v2  }
0x57: {  	vm1 =	vge.f32 v2, $0.0e+00  }
0x58: {  	v2 =	vsel vm1, v2, v3  }
0x59: {  	v2 =	vmul.f32 $1.442695020e+00, v2;
	_ =	sdelay $0x1  }
0x5a: {  	(erf) = vpow2.f32 v2;
	_ =	sdelay $0x5  }
0x5b: {  	s23 =	sadd.s32 $0x40, s23  }
0x5c: {  	v2 =	vld [tilespmem:s23+$0xFFFFFFE0];
	_ =	sdelay $0x1  }
0x5d: {  	v3 =	vpop (erf)  }
0x5e: {  	v3 =	vperm.xlane v3, v1;
	_ =	sdelay $0x1  }
0x5f: {  	v2 =	vmul.f32 v2, v3;
	v4 =	vnsel vm0, $0x0, v3  }
0x60: {  	s24 =	sadd.s32 $0x50, s24  }
0x61: {  	[tilespmem:s24+$0xFFFFFFE0] =	vst v2  }
0x62: {  	v2 =	vld [tilespmem:s23+$0xFFFFFFF0];
	_ =	sdelay $0x4  }
0x63: {  	v2 =	vmul.f32 v2, v3;
	_ =	sdelay $0x1  }
0x64: {  	[tilespmem:s24+$0xFFFFFFF0] =	vst v2  }
0x65: {  	v2 =	vld [tilespmem:s23+$0x0];
	_ =	sdelay $0x4  }
0x66: {  	v2 =	vmul.f32 v2, v3;
	_ =	sdelay $0x1  }
0x67: {  	[tilespmem:s24+$0x0] =	vst v2  }
0x68: {  	v2 =	vld [tilespmem:s23+$0x10];
	[tilespmem:s24+$0x20] =	vst v4;
	_ =	sdelay $0x3  }
.Ltmp0:
0x69: {  	(pc) =	sbr.rel @p0 .LBB2_3-.Ltmp0, $3  }
0x6a: {  	v2 =	vmul.f32 v2, v3;
	_ =	sdelay $0x1  }
0x6b: {  	s26 =	sshra.s32 s25, $0x2;
	[tilespmem:s24+$0x10] =	vst v2  }
0x6c: {  	s25 =	sadd.s32 $0x40, s25;
	v2 =	vld [tilespmem:s26+$0x980]  }
0x6d: {  	v3 =	vld [tilespmem:s26+$0x180];
	_ =	sdelay $0x4  }
0x6e: {  	v2 =	vadd.f32 v2, v3;
	_ =	sdelay $0x1  }
0x6f: {  	v3 =	vmul.f32 $2.000000030e-01, v2  }
0x70: {  	vm1 =	vge.f32 v2, $0.0e+00  }
0x71: {  	v2 =	vsel vm1, v2, v3  }
0x72: {  	v2 =	vmul.f32 $1.442695020e+00, v2;
	_ =	sdelay $0x1  }
0x73: {  	(erf) = vpow2.f32 v2;
	_ =	sdelay $0x5  }
0x74: {  	s23 =	sadd.s32 $0x40, s23  }
0x75: {  	v2 =	vld [tilespmem:s23+$0xFFFFFFE0];
	_ =	sdelay $0x1  }
0x76: {  	v3 =	vpop (erf)  }
0x77: {  	v3 =	vperm.xlane v3, v1;
	_ =	sdelay $0x1  }
0x78: {  	v2 =	vmul.f32 v2, v3  }
0x79: {  	s24 =	sadd.s32 $0x50, s24  }
0x7a: {  	[tilespmem:s24+$0xFFFFFFE0] =	vst v2  }
0x7b: {  	v2 =	vld [tilespmem:s23+$0xFFFFFFF0];
	_ =	sdelay $0x4  }
0x7c: {  	v2 =	vmul.f32 v2, v3;
	_ =	sdelay $0x1  }
0x7d: {  	[tilespmem:s24+$0xFFFFFFF0] =	vst v2  }
0x7e: {  	v2 =	vld [tilespmem:s23+$0x0];
	_ =	sdelay $0x4  }
0x7f: {  	v2 =	vmul.f32 v2, v3;
	_ =	sdelay $0x1  }
0x80: {  	[tilespmem:s24+$0x0] =	vst v2  }
0x81: {  	v2 =	vld [tilespmem:s23+$0x10];
	_ =	sdelay $0x4  }
0x82: {  	s22 =	sadd.s32 $0x1, s22;
	v4 =	vnsel vm0, $0x0, v3;
	v2 =	vmul.f32 v2, v3  }
0x83: {  	p0 =	sne.s32 s22, $0x9D;
	[tilespmem:s24+$0x20] =	vst v4  }
.Ltmp1:
0x84: {  	[tilespmem:s24+$0x10] =	vst v2;
	(pc) =	sbr.rel @p0 .LBB2_2-.Ltmp1, $4  }
0x85: {  	[spmem:s2] =	stream.indirect.scatter.add.f32 [tilespmem:s21], [sflag:$0x1], $0x50, s16, s16, $0xb8;
	[tilespmem:$0x12180] =	vst v63  }
0x86: {  	_ =	swait.ge [sflag:s15], $0x2800  }
0x87: {  	[sflag:s15] =	ssyncset.done $0x0  }
0x88: {  	[sflag:s15] =	ssyncadd.s32 $0xFFFFD800  }
0x89: {  	s3 =	sadd.s32 $0x1, s3  }
0x8a: {  	p0 =	sne.s32 s3, s13  }
.Ltmp2:
0x8b: {  	[bflag:$0x0] =	sbarrier.arrive $0xFFFF;
	(pc) =	sbr.rel @p0 .LBB2_1-.Ltmp2, $4  }
0x8c: {  	[hbm:s12], [sflag:s10] =	dma.local [spmem:s14], $0x1900  }
0x8d: {  	_ =	swait.ge [sflag:s15], $0x1900  }
0x8e: {  	[sflag:s15] =	ssyncset.done $0x0  }
0x8f: {  	[sflag:s15] =	ssyncadd.s32 $0xFFFFE700  }
0x90: {  	_ =	sfence.sel $0x180000  }
0x91: {  	[bflag:$0x0] =	sbarrier.arrive $0xFFFF  }
0x92: {  	p0 =	sne.s32 s1, $0x0;
	_ =	strace $0x9000004A  }
0x93: {  	s0 =	sadd.s32 @!p0 $0x100000, s0;
	[bflag:$0x2] =	sbarrier.arrive $0xFFFF  }
0x94: {  	[sflag:s0] =	ssyncadd.tile.s32 @!p0 $0x1;
	_ =	shalt  }
.Lfunc_end2:
_tile_overlayer_lowered:
.L_overlay_start_2:
0x95: {  	(tag) =	ssettag $0x2  }
0x96: {  	s0 =	rddreg [dreg:$0x0];
	s2 =	stileid.u32  }
0x97: {  	s1 =	rddreg [dreg:$0x1];
	p0 =	sne.s32 s2, $0x0  }
0x98: {  	s3 =	rddreg [dreg:$0x2];
	[bflag:$0x3] =	sbarrier.arrive $0xFFFF;
	s2 =	simm.s32 @!p0 $0x1C01  }
0x99: {  	[timem:s3], [sflag:s2] =	dma.local @!p0 [hbm:s0], s1  }
0x9a: {  	s0 =	simm.s32 @!p0 $0x1  }
0x9b: {  	_ =	swait.ge @!p0 [sflag:s0], s1  }
0x9c: {  	s1 =	ssub.s32 @!p0 $0x0, s1;
	[sflag:s0] =	ssyncset.done @!p0 $0x0  }
0x9d: {  	[sflag:s0] =	ssyncadd.s32 @!p0 s1  }
0x9e: {  	[bflag:$0x3] =	sbarrier.arrive $0xFFFF  }
0x9f: {  	_ =	shalt  }

// kernel: kernel.7.cloned.1.call-start
scs
__scs_entry_jumppad:
0x0: {  	(pc) =	sbr.rel $0x88, $3  }
0x1: {  	(tag) =	ssettag $0x0;
	lr =	simm.s32 $0x1  }
0x2: {  	[smem:$0x3F96] =	sst lr;
	_ =	strace $0xD0000000  }
0x3: {  	_ = 	snop  }
0x4: {  	_ = 	snop  }
0x5: {  	_ = 	snop  }
0x6: {  	_ = 	snop  }
0x7: {  	_ = 	snop  }
__scs_overlays_trampoline_lowered:
0x8: {  	[smem:$0x3FA5] =	sst s0  }
0x9: {  	[smem:$0x3FA6] =	sst s1  }
0xa: {  	[smem:$0x3FA7] =	sst s2  }
0xb: {  	[smem:$0x3FA8] =	sst s3  }
0xc: {  	[smem:$0x3FA9] =	sst s4  }
0xd: {  	[smem:$0x3FAA] =	sst s5  }
0xe: {  	[smem:$0x3FAB] =	sst s6  }
0xf: {  	[smem:$0x3FAC] =	sst s7  }
0x10: {  	[smem:$0x3FAD] =	sst s8  }
0x11: {  	[smem:$0x3FAE] =	sst s9;
	s0 =	simm.s32 @!p0 $0x0  }
0x12: {  	s1 =	sld [smem:$0x3F94];
	s0 =	simm.s32 @p0 $0x1  }
0x13: {  	[smem:$0x3FAF] =	sst s0;
	s0 =	simm.s32 @!p1 $0x0  }
0x14: {  	s2 =	sld [smem:$0x3F93];
	s0 =	simm.s32 @p1 $0x1  }
0x15: {  	[smem:$0x3FB0] =	sst s0;
	s0 =	simm.s32 @!p2 $0x0  }
0x16: {  	s3 =	sld [smem:$0x3FDB];
	s0 =	simm.s32 @p2 $0x1  }
0x17: {  	s4 =	simm.s32 $0x1BF5;
	[smem:$0x3FB2] =	sst s0  }
0x18: {  	s0 =	sld [smem:$0x3F95];
	_ =	swait.ge [sflag:s4], $0x0  }
0x19: {  	s7 =	sld [smem:$0x3F96]  }
0x1a: {  	s8 =	sadd.s32 $0xFFFFE003, lr  }
0x1b: {  	s9 =	sadd.s32 $0xFFFFFEF7, lr;
	s5 =	simm.s32 $0xFFFFFFFF;
	p2 =	slt.u32 s8, $0xFFFFF086  }
0x1c: {  	p1 =	slt.u32 s9, $0xF7A;
	s5 =	simm.s32 @!p2 $0x0  }
0x1d: {  	s5 =	simm.s32 @p1 $0x1;
	p0 =	seq.s32 s7, s2  }
0x1e: {  	s7 =	smul.u32 @!p0 $0xF7A, s2;
	p2 =	seq.s32 @!p0 s5, $0x0  }
0x1f: {  	s9 =	smul.u32 $0xF7A, s1;
	s8 =	simm.s32 @!p0 $0x1BF5;
	p2 =	por !p2, p0  }
0x20: {  	[sflag:s8] =	ssyncset.s32 @!p0 $0xFFFFF086;
	s6 =	sadd.s32 @!p0 s3, s7;
	s7 =	simm.s32 @!p0 $0x108  }
0x21: {  	s3 =	sadd.s32 s3, s9;
	s6 =	sadd.s32 @!p0 $0x88, s6;
	s7 =	simm.s32 @p2 $0x1082  }
0x22: {  	[simem:s7], [sflag:s8] =	dma.local @!p0 [hbm:s6], $0xF7A  }
0x23: {  	s9 =	sor.u32 $0xD0000000, s2;
	s6 =	simm.s32 $0x108;
	_ =	swait.ge @!p0 [sflag:s8], $0x0  }
0x24: {  	s3 =	sadd.s32 $0x88, s3;
	s6 =	simm.s32 @!p1 $0x1082;
	[sflag:s4] =	ssyncset.s32 $0xFFFFF086  }
0x25: {  	[simem:s6], [sflag:s4] =	dma.local [hbm:s3], $0xF7A  }
0x26: {  	[smem:$0x3F96] =	sst s1;
	(tag) =	ssettag s2;
	_ =	strace s9  }
0x27: {  	s1 =	sld [smem:$0x3FA6]  }
0x28: {  	s2 =	sld [smem:$0x3FA7]  }
0x29: {  	s4 =	sld [smem:$0x3FA9]  }
0x2a: {  	p0 =	seq.s32 s5, $0x0;
	s5 =	sld [smem:$0x3FAA]  }
0x2b: {  	s6 =	sld [smem:$0x3FAB]  }
0x2c: {  	s7 =	sld [smem:$0x3FAC]  }
0x2d: {  	s3 =	simm.s32 $0x108;
	s8 =	sld [smem:$0x3FAD]  }
0x2e: {  	s3 =	simm.s32 @!p0 $0x1082;
	s9 =	sld [smem:$0x3FAE]  }
0x2f: {  	lr =	sadd.s32 s0, s3;
	s0 =	sld [smem:$0x3FA5]  }
0x30: {  	s3 =	sld [smem:$0x3FA8]  }
0x31: {  	[smem:$0x3FB1] =	sst s10  }
0x32: {  	s10 =	sld [smem:$0x3FAF];
	_ =	sdelay $0x3  }
0x33: {  	p0 =	seq.s32 s10, $0x1;
	s10 =	sld [smem:$0x3FB1];
	_ =	sdelay $0x3  }
0x34: {  	[smem:$0x3FB1] =	sst s10  }
0x35: {  	s10 =	sld [smem:$0x3FB0];
	_ =	sdelay $0x3  }
0x36: {  	p1 =	seq.s32 s10, $0x1;
	s10 =	sld [smem:$0x3FB1];
	_ =	sdelay $0x3  }
0x37: {  	[smem:$0x3FB1] =	sst s10  }
0x38: {  	s10 =	sld [smem:$0x3FB2]  }
0x39: {  	_ = 	snop;
	(pc) =	sbr.ind lr, $3  }
0x3a: {  	_ = 	snop  }
0x3b: {  	_ = 	snop  }
0x3c: {  	p2 =	seq.s32 s10, $0x1;
	s10 =	sld [smem:$0x3FB1]  }
0x3d: {  	_ =	shalt  }
0x3e: {  	_ =	shalt  }
0x3f: {  	_ =	shalt  }
0x40: {  	_ =	shalt  }
0x41: {  	_ =	shalt  }
0x42: {  	_ =	shalt  }
0x43: {  	_ =	shalt  }
0x44: {  	_ =	shalt  }
0x45: {  	_ =	shalt  }
0x46: {  	_ =	shalt  }
0x47: {  	_ =	shalt  }
0x48: {  	_ =	shalt  }
0x49: {  	_ =	shalt  }
0x4a: {  	_ =	shalt  }
0x4b: {  	_ =	shalt  }
0x4c: {  	_ =	shalt  }
0x4d: {  	_ =	shalt  }
0x4e: {  	_ =	shalt  }
0x4f: {  	_ =	shalt  }
0x50: {  	_ =	shalt  }
0x51: {  	_ =	shalt  }
0x52: {  	_ =	shalt  }
0x53: {  	_ =	shalt  }
0x54: {  	_ =	shalt  }
0x55: {  	_ =	shalt  }
0x56: {  	_ =	shalt  }
0x57: {  	_ =	shalt  }
0x58: {  	_ =	shalt  }
0x59: {  	_ =	shalt  }
0x5a: {  	_ =	shalt  }
0x5b: {  	_ =	shalt  }
0x5c: {  	_ =	shalt  }
0x5d: {  	_ =	shalt  }
0x5e: {  	_ =	shalt  }
0x5f: {  	_ =	shalt  }
0x60: {  	_ =	shalt  }
0x61: {  	_ =	shalt  }
0x62: {  	_ =	shalt  }
0x63: {  	_ =	shalt  }
0x64: {  	_ =	shalt  }
0x65: {  	_ =	shalt  }
0x66: {  	_ =	shalt  }
0x67: {  	_ =	shalt  }
0x68: {  	_ =	shalt  }
0x69: {  	_ =	shalt  }
0x6a: {  	_ =	shalt  }
0x6b: {  	_ =	shalt  }
0x6c: {  	_ =	shalt  }
0x6d: {  	_ =	shalt  }
0x6e: {  	_ =	shalt  }
0x6f: {  	_ =	shalt  }
0x70: {  	_ =	shalt  }
0x71: {  	_ =	shalt  }
0x72: {  	_ =	shalt  }
0x73: {  	_ =	shalt  }
0x74: {  	_ =	shalt  }
0x75: {  	_ =	shalt  }
0x76: {  	_ =	shalt  }
0x77: {  	_ =	shalt  }
0x78: {  	_ =	shalt  }
0x79: {  	_ =	shalt  }
0x7a: {  	_ =	shalt  }
0x7b: {  	_ =	shalt  }
0x7c: {  	_ =	shalt  }
0x7d: {  	_ =	shalt  }
0x7e: {  	_ =	shalt  }
0x7f: {  	_ =	shalt  }
0x80: {  	_ =	shalt  }
0x81: {  	_ =	shalt  }
0x82: {  	_ =	shalt  }
0x83: {  	_ =	shalt  }
0x84: {  	_ =	shalt  }
0x85: {  	_ =	shalt  }
0x86: {  	_ =	shalt  }
0x87: {  	_ =	shalt  }
.Lfunc_end0:
.L_simem_size_0:
called_computation_lowered:
.L_overlay_start_0:
0x88: {  	s2 =	sld [smem:$0x3FD9]  }
0x89: {  	s3 =	sld [smem:$0x3FFE];
	_ =	sdelay $0x1  }
0x8a: {  	s1 =	srdreg.scid  }
0x8b: {  	s0 =	sand.u32 $0x1, s1  }
0x8c: {  	s16 =	sshll.u32 s0, $0xA;
	s2 =	sadd.s32 s3, s2  }
0x8d: {  	s2 =	sadd.s32 s2, s16  }
0x8e: {  	[smem:$0x3FBD] =	sst s2  }
0x8f: {  	_ = 	snop  }
0x90: {  	(tm) =	ssettm $0x1  }
0x91: {  	s17 =	sld [smem:$0x3FFB];
	_ =	sdelay $0x3  }
0x92: {  	_ =	strace s17  }
0x93: {  	s2 =	sld [smem:$0x3FFC];
	_ =	sdelay $0x3  }
0x94: {  	_ =	strace s2  }
0x95: {  	s2 =	sld [smem:$0x3FFD];
	_ =	sdelay $0x3  }
0x96: {  	_ =	strace s2  }
0x97: {  	_ =	strace $0x8FFFFFFF  }
0x98: {  	s18 =	sld [smem:$0x3FDB];
	_ =	sdelay $0x1  }
0x99: {  	s19 =	simm.s32 $_scs_section_size  }
0x9a: {  	s4 =	simm.s32 $_size__tile_overlayer_lowered;
	s5 =	simm.s32 $_tile_overlayer_lowered  }
0x9b: {  	s22 =	simm.s32 $0x1BFF;
	s21 =	sshll.u32 s5, $0x1;
	s2 =	sadd.s32 s19, s18  }
0x9c: {  	s6 =	simm.s32 $0x0;
	s20 =	sshll.u32 s4, $0x1;
	s4 =	sadd.s32 s21, s2  }
0x9d: {  	[timem:s6], [sflag:s22] =	dma.local [hbm:s4], s20  }
0x9e: {  	_ =	swait.ge [sflag:s22], s20  }
0x9f: {  	s3 =	ssub.s32 $0x0, s20;
	[sflag:s22] =	ssyncset.done $0x0  }
0xa0: {  	[sflag:s22] =	ssyncadd.s32 s3;
	_ =	sdelay $0x1  }
0xa1: {  	s23 =	simm.s32 $0x1B8B  }
0xa2: {  	_ =	swait.ge [sflag:s23], $0x1  }
0xa3: {  	[sflag:s23] =	ssyncset.done $0x0  }
0xa4: {  	s25 =	simm.s32 $0x1B8E;
	s24 =	sld [smem:$0x3FFE];
	[sflag:s23] =	ssyncadd.s32 $0xFFFFFFFF  }
0xa5: {  	s26 =	simm.s32 $execute0_lowered;
	[smem:$0x3FD2] =	sst s25  }
0xa6: {  	s4 =	sshll.u32 s26, $0x1;
	_ =	strace $0x80000046;
	[dreg:$0x1] =	wrdreg $0xFFFFFFFF  }
0xa7: {  	s28 =	simm.s32 $_size_execute0_lowered;
	s2 =	sadd.s32 s2, s4;
	[dreg:$0x0] =	wrdreg $0x0  }
0xa8: {  	s4 =	sshll.u32 s28, $0x1;
	[dreg:$0x2] =	wrdreg s2  }
0xa9: {  	[dreg:$0x3] =	wrdreg s4  }
0xaa: {  	[dreg:$0x4] =	wrdreg $0xC0  }
0xab: {  	_ =	task [dreg:s6], $0x5FFFF  }
0xac: {  	[dreg:$0x1] =	wrdreg $0xFFFFFFFF  }
0xad: {  	[dreg:$0x0] =	wrdreg $0x60  }
0xae: {  	[dreg:$0x2] =	wrdreg s24  }
0xaf: {  	[dreg:$0x3] =	wrdreg $0x59800  }
0xb0: {  	[dreg:$0x4] =	wrdreg $0x9  }
0xb1: {  	_ =	task.clear_ibuf [dreg:s6], $0x5FFFF;
	_ =	strace $0x90000046  }
0xb2: {  	s29 =	simm.s32 $0x9;
	_ =	strace $0x80000048  }
0xb3: {  	_ =	swait.ge [sflag:s29], $0x1  }
0xb4: {  	[sflag:s29] =	ssyncadd.s32 $0xFFFFFFFF  }
0xb5: {  	_ =	strace $0x90000048  }
0xb6: {  	_ =	sfence  }
0xb7: {  	s30 =	sld [smem:$0x0];
	_ =	sdelay $0x2  }
0xb8: {  	s31 =	sshll.u32 s1, $0xD;
	s1 =	sshrl.u32 s1, $0x2  }
0xb9: {  	s3 =	sand.u32 $0x4000, s31;
	s1 =	sadd.s32 s1, s30  }
0xba: {  	s0 =	sor.u32 s3, s0;
	s1 =	sshll.u32 s1, $0x11  }
0xbb: {  	s0 =	sor.u32 s1, s0  }
0xbc: {  	s0 =	sadd.s32 $0x8F2B, s0  }
0xbd: {  	[sflag:s0] =	ssyncadd.remote.s32 $0x1  }
0xbe: {  	_ =	sfence.sel $0xFFFF  }
0xbf: {  	[dreg:$0x0] =	wrdreg $0xFFFFFFFF;
	(pc) =	sbr.abs _section_cstart, $3  }
0xc0: {  	[dreg:$0x1] =	wrdreg $0xFFFFFFFF  }
0xc1: {  	_ =	task.clear_ibuf [dreg:s6], $0x2FFFF;
	_ =	strace $0x9FFFFFFF  }
0xc2: {  	(tm) =	ssettm $0x7FFFFFFF  }
0xc3: {  	_ =	shalt  }
tec
execute0_lowered:
.L_overlay_start_1:
0x0: {  	(tag) =	ssettag $0x1  }
0x1: {  	s9 =	rddreg [dreg:$0x0];
	s0 =	srdreg.scid  }
0x2: {  	s2 =	rddreg [dreg:$0x1];
	s1 =	stileid.u32  }
0x3: {  	s3 =	simm.s32 $0x0;
	s19 =	simm.s32 $0x100;
	s20 =	simm.s32 $0x1180  }
0x4: {  	s21 =	simm.s32 $0x3180;
	s11 =	sand.u32 $0x1, s0;
	s0 =	rddreg [dreg:$0x2]  }
0x5: {  	s5 =	smul.u32 $0x280, s1;
	[smem:$0x7FF] =	sst s3;
	s4 =	sadd.s32 $0x3D600, s9  }
0x6: {  	s6 =	sadd.s32 $0x2E800, s9;
	s13 =	smul.u32 $0x32000, s1;
	s8 =	sadd.s32 $0x1800, s9  }
0x7: {  	v0 =	vimm.s32 $0x3020100;
	s31 =	sshll.u32 s1, $0x6;
	s16 =	smul.u32 $0x2800, s11;
	_ =	strace $0x80000047  }
0x8: {  	v1 =	vunpack.c.0.s8.s32 v0;
	s12 =	ssub.s32 $0x2, s11;
	s18 =	sshll.u32 s11, $0x2;
	s11 =	smul.u32 $0x4E80, s1  }
0x9: {  	vm0 =	vcmask $0xF00;
	s29 =	sshrl.u32 s12, $0x1;
	s30 =	sshrl.u32 s13, $0x2;
	s7 =	sadd.s32 s5, s16  }
0xa: {  	v1 =	vnsel vm0, $0x3, v1;
	s5 =	sadd.s32 $0x33800, s9;
	s15 =	ssub.s32 s12, s29;
	s10 =	smul.u32 $0xA, s7  }
0xb: {  	v0 =	vmov s18;
	s17 =	sadd.s32 s30, s2;
	v1 =	vor.u32 s18, v1;
	v2 =	vmov s16;
	s16 =	simm.s32 $0x80;
	s18 =	simm.s32 $0x980  }
0xc: {  	s7 =	sadd.s32 $0x29800, s9;
	s13 =	smax.u32 s15, $0x1;
	s14 =	sadd.s32 s10, s9  }
0xd: {  	vm0 =	vmmov $0xf;
	s15 =	simm.s32 $0x1;
	s10 =	sor.u32 $0x1C01, s31;
	s9 =	sadd.s32 $0xA1800, s14  }
0xe: {  	v3 =	vor.u32 $0x1, v0;
	v4 =	vor.u32 $0x2, v0;
	v5 =	vor.u32 $0x3, v0;
	s12 =	sadd.s32 $0x47400, s14;
	s14 =	sshrl.u32 s17, $0x3;
	s17 =	simm.s32 $0x180  }
.LBB2_1:
0xf: {  	[spmem:s14], [sflag:s10] =	dma.local [hbm:s9], $0x1900  }
0x10: {  	_ =	swait.ge [sflag:s15], $0x1900  }
0x11: {  	[sflag:s15] =	ssyncset.done $0x0  }
0x12: {  	[sflag:s15] =	ssyncadd.s32 $0xFFFFE700  }
0x13: {  	s22 =	simm.s32 $0x0;
	[bflag:$0x0] =	sbarrier.arrive $0xFFFF  }
.LBB2_2:
0x14: {  	s23 =	sshll.u32 s22, $0x7  }
0x15: {  	s23 =	sadd.s32 s11, s23  }
0x16: {  	s23 =	sshrl.u32 s23, $0x3  }
0x17: {  	s25 =	simm.s32 $0x0;
	s24 =	sadd.s32 s4, s23  }
0x18: {  	[tilespmem:s25], [sflag:$0x1] =	stream.linear.gather [hbm4b:s24+s25], $0x80, $0x38;
	[tilespmem:$0x12180] =	vst v63  }
0x19: {  	_ =	swait.ge [sflag:s15], $0x80  }
0x1a: {  	[sflag:s15] =	ssyncset.done $0x0  }
0x1b: {  	s23 =	sadd.s32 s5, s23;
	[sflag:s15] =	ssyncadd.s32 $0xFFFFFF80  }
0x1c: {  	[tilespmem:s16], [sflag:$0x1] =	stream.linear.gather [hbm4b:s23+s25], $0x80, $0x38;
	[tilespmem:$0x12180] =	vst v63  }
0x1d: {  	_ =	swait.ge [sflag:s15], $0x80  }
0x1e: {  	[sflag:s15] =	ssyncset.done $0x0  }
0x1f: {  	[sflag:s15] =	ssyncadd.s32 $0xFFFFFF80  }
0x20: {  	v6 =	vld [tilespmem:$0x0]  }
0x21: {  	v7 =	vld [tilespmem:$0x10]  }
0x22: {  	v8 =	vld [tilespmem:$0x20]  }
0x23: {  	v9 =	vld [tilespmem:$0x30]  }
0x24: {  	v10 =	vld [tilespmem:$0x40]  }
0x25: {  	v11 =	vld [tilespmem:$0x50];
	v6 =	vadd.s32 v2, v6  }
0x26: {  	[tilespmem:$0x100] =	vst v6;
	v6 =	vadd.s32 v2, v7;
	v7 =	vld [tilespmem:$0x60]  }
0x27: {  	[tilespmem:$0x110] =	vst v6;
	v6 =	vadd.s32 v2, v8;
	v8 =	vld [tilespmem:$0x70]  }
0x28: {  	[tilespmem:$0x120] =	vst v6;
	v6 =	vadd.s32 v2, v9  }
0x29: {  	[tilespmem:$0x130] =	vst v6;
	v6 =	vadd.s32 v2, v10  }
0x2a: {  	[tilespmem:$0x140] =	vst v6;
	v6 =	vadd.s32 v2, v11  }
0x2b: {  	[tilespmem:$0x150] =	vst v6;
	v6 =	vadd.s32 v2, v7  }
0x2c: {  	[tilespmem:$0x160] =	vst v6;
	v6 =	vadd.s32 v2, v8  }
0x2d: {  	[tilespmem:$0x170] =	vst v6  }
0x2e: {  	[tilespmem:s17], [sflag:$0x1] =	stream.indirect.gather [hbm4b:s6+s16], $0x10, s25, s16, $0xb8;
	[tilespmem:$0x12180] =	vst v63  }
0x2f: {  	_ =	swait.ge [sflag:s15], $0x800  }
0x30: {  	[sflag:s15] =	ssyncset.done $0x0  }
0x31: {  	[sflag:s15] =	ssyncadd.s32 $0xFFFFF800  }
0x32: {  	[tilespmem:s18], [sflag:$0x1] =	stream.indirect.gather [hbm4b:s7+s16], $0x10, s16, s16, $0xb8;
	[tilespmem:$0x12180] =	vst v63  }
0x33: {  	_ =	swait.ge [sflag:s15], $0x800  }
0x34: {  	[sflag:s15] =	ssyncset.done $0x0  }
0x35: {  	[sflag:s15] =	ssyncadd.s32 $0xFFFFF800  }
0x36: {  	[tilespmem:s20], [sflag:$0x1] =	stream.indirect.gather [hbm4b:s8+s16], $0x40, s19, s16, $0xb8;
	[tilespmem:$0x12180] =	vst v63  }
0x37: {  	_ =	swait.ge [sflag:s15], $0x2000  }
0x38: {  	[sflag:s15] =	ssyncset.done $0x0  }
0x39: {  	s31 =	simm.s32 $0x0;
	[sflag:s15] =	ssyncadd.s32 $0xFFFFE000  }
0x3a: {  	v6 =	vld [tilespmem:s31+$0x980]  }
0x3b: {  	v7 =	vld [tilespmem:s31+$0x180];
	_ =	sdelay $0x4  }
0x3c: {  	v6 =	vadd.f32 v6, v7;
	_ =	sdelay $0x1  }
0x3d: {  	v7 =	vmul.f32 $2.000000030e-01, v6  }
0x3e: {  	vm1 =	vge.f32 v6, $0.0e+00  }
0x3f: {  	v6 =	vsel vm1, v6, v7  }
0x40: {  	v6 =	vmul.f32 $1.442695020e+00, v6;
	_ =	sdelay $0x1  }
0x41: {  	(erf) = vpow2.f32 v6;
	_ =	sdelay $0x5  }
0x42: {  	s23 =	simm.s32 $0x11A0  }
0x43: {  	v6 =	vld [tilespmem:s23+$0xFFFFFFE0];
	_ =	sdelay $0x1  }
0x44: {  	v7 =	vpop (erf)  }
0x45: {  	v8 =	vperm.xlane v7, v0;
	_ =	sdelay $0x1  }
0x46: {  	v6 =	vmul.f32 v6, v8  }
0x47: {  	s24 =	simm.s32 $0x31A0  }
0x48: {  	[tilespmem:s24+$0xFFFFFFE0] =	vst v6  }
0x49: {  	v6 =	vld [tilespmem:s23+$0xFFFFFFF0];
	_ =	sdelay $0x2  }
0x4a: {  	v8 =	vperm.xlane v7, v3;
	_ =	sdelay $0x1  }
0x4b: {  	v6 =	vmul.f32 v6, v8;
	_ =	sdelay $0x1  }
0x4c: {  	[tilespmem:s24+$0xFFFFFFF0] =	vst v6  }
0x4d: {  	v6 =	vld [tilespmem:s23+$0x0];
	_ =	sdelay $0x2  }
0x4e: {  	v8 =	vperm.xlane v7, v4;
	_ =	sdelay $0x1  }
0x4f: {  	v6 =	vmul.f32 v6, v8;
	_ =	sdelay $0x1  }
0x50: {  	[tilespmem:s24+$0x0] =	vst v6  }
0x51: {  	v6 =	vld [tilespmem:s23+$0x10];
	_ =	sdelay $0x2  }
0x52: {  	v8 =	vperm.xlane v7, v1;
	v7 =	vperm.xlane v7, v5;
	_ =	sdelay $0x1  }
0x53: {  	v8 =	vnsel vm0, $0x0, v8;
	v6 =	vmul.f32 v6, v7  }
0x54: {  	[tilespmem:s24+$0x20] =	vst v8  }
0x55: {  	s26 =	simm.s32 $0x10;
	[tilespmem:s24+$0x10] =	vst v6  }
0x56: {  	s25 =	simm.s32 $0x80;
	v6 =	vld [tilespmem:s26+$0x980]  }
.LBB2_3:
0x57: {  	p0 =	sne.s32 s25, $0x1FC0;
	v7 =	vld [tilespmem:s26+$0x180];
	_ =	sdelay $0x4  }
0x58: {  	v6 =	vadd.f32 v6, v7;
	_ =	sdelay $0x1  }
0x59: {  	v7 =	vmul.f32 $2.000000030e-01, v6  }
0x5a: {  	vm1 =	vge.f32 v6, $0.0e+00  }
0x5b: {  	v6 =	vsel vm1, v6, v7  }
0x5c: {  	v6 =	vmul.f32 $1.442695020e+00, v6;
	_ =	sdelay $0x1  }
0x5d: {  	(erf) = vpow2.f32 v6;
	_ =	sdelay $0x5  }
0x5e: {  	s23 =	sadd.s32 $0x40, s23  }
0x5f: {  	v6 =	vld [tilespmem:s23+$0xFFFFFFE0];
	_ =	sdelay $0x1  }
0x60: {  	v7 =	vpop (erf)  }
0x61: {  	v8 =	vperm.xlane v7, v0;
	v9 =	vperm.xlane v7, v1;
	_ =	sdelay $0x1  }
0x62: {  	v6 =	vmul.f32 v6, v8;
	v8 =	vnsel vm0, $0x0, v9  }
0x63: {  	s24 =	sadd.s32 $0x50, s24  }
0x64: {  	[tilespmem:s24+$0xFFFFFFE0] =	vst v6  }
0x65: {  	v6 =	vld [tilespmem:s23+$0xFFFFFFF0];
	_ =	sdelay $0x2  }
0x66: {  	v9 =	vperm.xlane v7, v3;
	_ =	sdelay $0x1  }
0x67: {  	v6 =	vmul.f32 v6, v9;
	_ =	sdelay $0x1  }
0x68: {  	[tilespmem:s24+$0xFFFFFFF0] =	vst v6  }
0x69: {  	v6 =	vld [tilespmem:s23+$0x0];
	_ =	sdelay $0x2  }
0x6a: {  	v9 =	vperm.xlane v7, v4;
	_ =	sdelay $0x1  }
0x6b: {  	v6 =	vmul.f32 v6, v9;
	_ =	sdelay $0x1  }
0x6c: {  	[tilespmem:s24+$0x0] =	vst v6  }
0x6d: {  	v6 =	vld [tilespmem:s23+$0x10];
	[tilespmem:s24+$0x20] =	vst v8;
	_ =	sdelay $0x2  }
0x6e: {  	v7 =	vperm.xlane v7, v5  }
.Ltmp0:
0x6f: {  	(pc) =	sbr.rel @p0 .LBB2_3-.Ltmp0, $3  }
0x70: {  	v6 =	vmul.f32 v6, v7;
	_ =	sdelay $0x1  }
0x71: {  	s26 =	sshra.s32 s25, $0x2;
	[tilespmem:s24+$0x10] =	vst v6  }
0x72: {  	s25 =	sadd.s32 $0x40, s25;
	v6 =	vld [tilespmem:s26+$0x980]  }
0x73: {  	v7 =	vld [tilespmem:s26+$0x180];
	_ =	sdelay $0x4  }
0x74: {  	v6 =	vadd.f32 v6, v7;
	_ =	sdelay $0x1  }
0x75: {  	v7 =	vmul.f32 $2.000000030e-01, v6  }
0x76: {  	vm1 =	vge.f32 v6, $0.0e+00  }
0x77: {  	v6 =	vsel vm1, v6, v7  }
0x78: {  	v6 =	vmul.f32 $1.442695020e+00, v6;
	_ =	sdelay $0x1  }
0x79: {  	(erf) = vpow2.f32 v6;
	_ =	sdelay $0x5  }
0x7a: {  	s23 =	sadd.s32 $0x40, s23  }
0x7b: {  	v6 =	vld [tilespmem:s23+$0xFFFFFFE0];
	_ =	sdelay $0x1  }
0x7c: {  	v7 =	vpop (erf)  }
0x7d: {  	v8 =	vperm.xlane v7, v0;
	_ =	sdelay $0x1  }
0x7e: {  	v6 =	vmul.f32 v6, v8  }
0x7f: {  	s24 =	sadd.s32 $0x50, s24  }
0x80: {  	[tilespmem:s24+$0xFFFFFFE0] =	vst v6  }
0x81: {  	v6 =	vld [tilespmem:s23+$0xFFFFFFF0];
	_ =	sdelay $0x2  }
0x82: {  	v61 =	vperm.xlane v7, v3;
	_ =	sdelay $0x1  }
0x83: {  	v6 =	vmul.f32 v6, v61;
	_ =	sdelay $0x1  }
0x84: {  	[tilespmem:s24+$0xFFFFFFF0] =	vst v6  }
0x85: {  	v6 =	vld [tilespmem:s23+$0x0];
	_ =	sdelay $0x2  }
0x86: {  	v62 =	vperm.xlane v7, v4;
	_ =	sdelay $0x1  }
0x87: {  	v6 =	vmul.f32 v6, v62;
	_ =	sdelay $0x1  }
0x88: {  	[tilespmem:s24+$0x0] =	vst v6  }
0x89: {  	v6 =	vld [tilespmem:s23+$0x10];
	_ =	sdelay $0x2  }
0x8a: {  	v63 =	vperm.xlane v7, v1;
	v7 =	vperm.xlane v7, v5;
	_ =	sdelay $0x1  }
0x8b: {  	s22 =	sadd.s32 $0x1, s22;
	v8 =	vnsel vm0, $0x0, v63;
	v6 =	vmul.f32 v6, v7  }
0x8c: {  	p0 =	sne.s32 s22, $0x9D;
	[tilespmem:s24+$0x20] =	vst v8  }
.Ltmp1:
0x8d: {  	[tilespmem:s24+$0x10] =	vst v6;
	(pc) =	sbr.rel @p0 .LBB2_2-.Ltmp1, $4  }
0x8e: {  	[spmem:s2] =	stream.indirect.scatter.add.f32 [tilespmem:s21], [sflag:$0x1], $0x50, s16, s16, $0xb8;
	[tilespmem:$0x12180] =	vst v63  }
0x8f: {  	_ =	swait.ge [sflag:s15], $0x2800  }
0x90: {  	[sflag:s15] =	ssyncset.done $0x0  }
0x91: {  	[sflag:s15] =	ssyncadd.s32 $0xFFFFD800  }
0x92: {  	s3 =	sadd.s32 $0x1, s3  }
0x93: {  	p0 =	sne.s32 s3, s13  }
.Ltmp2:
0x94: {  	[bflag:$0x0] =	sbarrier.arrive $0xFFFF;
	(pc) =	sbr.rel @p0 .LBB2_1-.Ltmp2, $4  }
0x95: {  	[hbm:s12], [sflag:s10] =	dma.local [spmem:s14], $0x1900  }
0x96: {  	_ =	swait.ge [sflag:s15], $0x1900  }
0x97: {  	[sflag:s15] =	ssyncset.done $0x0  }
0x98: {  	[sflag:s15] =	ssyncadd.s32 $0xFFFFE700  }
0x99: {  	_ =	sfence.sel $0x180000  }
0x9a: {  	[bflag:$0x0] =	sbarrier.arrive $0xFFFF  }
0x9b: {  	p0 =	sne.s32 s1, $0x0;
	_ =	strace $0x90000047  }
0x9c: {  	s0 =	sadd.s32 @!p0 $0x100000, s0;
	[bflag:$0x2] =	sbarrier.arrive $0xFFFF  }
0x9d: {  	[sflag:s0] =	ssyncadd.tile.s32 @!p0 $0x1;
	_ =	shalt  }
.Lfunc_end2:
_tile_overlayer_lowered:
.L_overlay_start_2:
0x9e: {  	(tag) =	ssettag $0x2  }
0x9f: {  	s0 =	rddreg [dreg:$0x0];
	s2 =	stileid.u32  }
0xa0: {  	s1 =	rddreg [dreg:$0x1];
	p0 =	sne.s32 s2, $0x0  }
0xa1: {  	s3 =	rddreg [dreg:$0x2];
	[bflag:$0x3] =	sbarrier.arrive $0xFFFF;
	s2 =	simm.s32 @!p0 $0x1C01  }
0xa2: {  	[timem:s3], [sflag:s2] =	dma.local @!p0 [hbm:s0], s1  }
0xa3: {  	s0 =	simm.s32 @!p0 $0x1  }
0xa4: {  	_ =	swait.ge @!p0 [sflag:s0], s1  }
0xa5: {  	s1 =	ssub.s32 @!p0 $0x0, s1;
	[sflag:s0] =	ssyncset.done @!p0 $0x0  }
0xa6: {  	[sflag:s0] =	ssyncadd.s32 @!p0 s1  }
0xa7: {  	[bflag:$0x3] =	sbarrier.arrive $0xFFFF  }
0xa8: {  	_ =	shalt  }

</sc_bundles>
